<compile_context>
chip_gen: v7x
topology: tpu7x:2x2x1
jax: 0.10.2.dev20260603
libtpu: 0.0.44.dev20260713+nightly
codegen_flags: <defaults>
</compile_context>

<pallas_src>
import functools

import jax
import jax.numpy as jnp
from jax import lax
from jax.experimental import pallas as pl
from jax.experimental.pallas import tpu as pltpu
from jax.experimental.pallas import tpu_sc as plsc

N = 10000
DIM = 256
C = 40
CP = 48

NC = 2
NS = 16
NW = NC * NS
CHUNK = 128
N_PAD = 10112
RPT = N_PAD // NS


def _mm_body(x_ref, w_ref, b_ref, o_ref):
    o_ref[...] = (
        jnp.dot(x_ref[...], w_ref[...], preferred_element_type=jnp.float32)
        + b_ref[...]
    ).astype(jnp.bfloat16)


def _hidden(x, W, b):
    m_blk = 2000
    Wp = jnp.zeros((DIM, CP), jnp.float32).at[:, :C].set(W)
    bp = jnp.zeros((1, CP), jnp.float32).at[:, :C].set(b.reshape(1, C))
    return pl.pallas_call(
        _mm_body,
        grid=(N // m_blk,),
        in_specs=[
            pl.BlockSpec((m_blk, DIM), lambda i: (i, 0)),
            pl.BlockSpec((DIM, CP), lambda i: (0, 0)),
            pl.BlockSpec((1, CP), lambda i: (0, 0)),
        ],
        out_specs=pl.BlockSpec((m_blk, CP), lambda i: (i, 0)),
        out_shape=jax.ShapeDtypeStruct((N, CP), jnp.bfloat16),
    )(x, Wp, bp)


NBUF = 4


def _make_scatter(chunks):
    assert chunks > NBUF + 1
    mesh = plsc.VectorSubcoreMesh(core_axis_name="c", subcore_axis_name="s")

    @functools.partial(
        pl.kernel,
        out_type=jax.ShapeDtypeStruct((NC, N_PAD, CP), jnp.bfloat16),
        mesh=mesh,
        scratch_types=[
            pltpu.VMEM((chunks, CHUNK), jnp.int32),
            pltpu.VMEM((chunks, CHUNK), jnp.int32),
            pltpu.VMEM((NBUF, CHUNK, CP), jnp.bfloat16),
            pltpu.VMEM_SHARED((N_PAD, CP), jnp.bfloat16),
            pltpu.VMEM_SHARED((N_PAD, CP), jnp.bfloat16),
            pltpu.SemaphoreType.DMA((NBUF,)),
            pltpu.SemaphoreType.DMA((NBUF,)),
        ],
        compiler_params=pltpu.CompilerParams(use_tc_tiling_on_sc=False, skip_device_barrier=True),
    )
    def scatter(hid_hbm, src_hbm, dst_hbm, zero_hbm, out_hbm,
                src_v, dst_v, rows_v, acc, hid_s, gsem, ssem):
        cid = lax.axis_index("c")
        sid = lax.axis_index("s")
        wid = cid * NS + sid
        base = sid * RPT
        last = (NS - 1) * RPT
        pltpu.async_copy(zero_hbm.at[pl.ds(base, RPT)],
                         acc.at[pl.ds(base, RPT)], gsem.at[0])

        @pl.when(sid < NS - 1)
        def _():
            pltpu.async_copy(hid_hbm.at[pl.ds(base, RPT)],
                             hid_s.at[pl.ds(base, RPT)], gsem.at[1])

        @pl.when(sid == NS - 1)
        def _():
            pltpu.async_copy(hid_hbm.at[pl.ds(last, N - last)],
                             hid_s.at[pl.ds(last, N - last)], gsem.at[1])

        pltpu.async_copy(src_hbm.at[wid], src_v, gsem.at[2])
        pltpu.async_copy(dst_hbm.at[wid], dst_v, gsem.at[3])

        pltpu.make_async_copy(zero_hbm.at[pl.ds(base, RPT)],
                              acc.at[pl.ds(base, RPT)], gsem.at[0]).wait()

        @pl.when(sid < NS - 1)
        def _():
            pltpu.make_async_copy(hid_hbm.at[pl.ds(base, RPT)],
                                  hid_s.at[pl.ds(base, RPT)], gsem.at[1]).wait()

        @pl.when(sid == NS - 1)
        def _():
            pltpu.make_async_copy(hid_hbm.at[pl.ds(last, N - last)],
                                  hid_s.at[pl.ds(last, N - last)],
                                  gsem.at[1]).wait()

        pltpu.make_async_copy(src_hbm.at[wid], src_v, gsem.at[2]).wait()
        pltpu.make_async_copy(dst_hbm.at[wid], dst_v, gsem.at[3]).wait()
        plsc.subcore_barrier()

        def start_g(j, b):
            pltpu.async_copy(hid_s.at[src_v.at[j]], rows_v.at[b],
                             gsem.at[b])

        def wait_g(j, b):
            pltpu.make_async_copy(hid_s.at[src_v.at[j]], rows_v.at[b],
                                  gsem.at[b]).wait()

        def start_s(j, b):
            pltpu.async_copy(rows_v.at[b], acc.at[dst_v.at[j]],
                             ssem.at[b], add=True)

        def wait_s(j, b):
            pltpu.make_async_copy(rows_v.at[b], acc.at[dst_v.at[j]],
                                  ssem.at[b]).wait()

        start_g(0, 0)
        for j in range(NBUF - 1):
            start_g(j + 1, j + 1)
            wait_g(j, j)
            start_s(j, j)

        def body(j, carry):
            b = lax.rem(j, NBUF)
            bn = lax.rem(j + 1, NBUF)
            wait_s(j + 1 - NBUF, bn)
            start_g(j + 1, bn)
            wait_g(j, b)
            start_s(j, b)
            return carry

        lax.fori_loop(NBUF - 1, chunks - 1, body, 0)

        jl = chunks - 1
        bl = jl % NBUF
        wait_g(jl, bl)
        start_s(jl, bl)
        for k in range(NBUF):
            j = chunks - NBUF + k
            wait_s(j, j % NBUF)

        plsc.subcore_barrier()
        pltpu.sync_copy(acc.at[pl.ds(base, RPT)],
                        out_hbm.at[cid, pl.ds(base, RPT)])

    return scatter


def _add_body(p_ref, o_ref):
    o_ref[...] = (p_ref[0].astype(jnp.float32)
                  + p_ref[1].astype(jnp.float32))[:, :C]


def _combine(partials):
    m_blk = 1000
    return pl.pallas_call(
        _add_body,
        grid=(N // m_blk,),
        in_specs=[pl.BlockSpec((NC, m_blk, CP), lambda i: (0, i, 0))],
        out_specs=pl.BlockSpec((m_blk, C), lambda i: (i, 0)),
        out_shape=jax.ShapeDtypeStruct((N, C), jnp.float32),
    )(partials)


def kernel(x, edge_index, W, b):
    E = edge_index.shape[1]
    src = edge_index[0].astype(jnp.int32)
    dst = edge_index[1].astype(jnp.int32)

    epw = -(-E // NW)
    chunks = -(-epw // CHUNK)
    e_pad = NW * chunks * CHUNK
    src_p = jnp.concatenate(
        [src, jnp.zeros((e_pad - E,), jnp.int32)]).reshape(NW, chunks, CHUNK)
    dst_p = jnp.concatenate(
        [dst, jnp.full((e_pad - E,), N_PAD - 1, jnp.int32)]
    ).reshape(NW, chunks, CHUNK)
    zero = jnp.zeros((N_PAD, CP), jnp.bfloat16)

    hidden = _hidden(x, W, b)
    partials = _make_scatter(chunks)(hidden, src_p, dst_p, zero)

    return _combine(partials)

# --- scband reference (transcript-rebuilt; emitter-appended) ---
"""Pipeline reference for scband-gcndecoder-29240137351637 (READ-ONLY COPY).

The authoritative reference and input builder live on the scoring server;
editing this copy changes nothing except your own understanding.
"""

import jax, jax.numpy as jnp
import numpy as np

N = 10000
E = 160000
DIM = 256
N_CLASSES = 40

def setup_inputs(seed: int = 0) -> dict:
    key = jax.random.key(seed)
    k1, k2, k3, k4 = jax.random.split(key, 4)
    x = jax.random.normal(k1, (N, DIM), dtype=jnp.float32)
    edge_index = jax.random.randint(k2, (2, E), 0, N, dtype=jnp.int64)
    # GraphConvolution linear params (xavier-ish scale)
    W = jax.random.normal(k3, (DIM, N_CLASSES), dtype=jnp.float32) * (1.0 / np.sqrt(DIM))
    b = jax.random.normal(k4, (N_CLASSES,), dtype=jnp.float32) * 0.01
    return {"x": x, "edge_index": edge_index, "W": W, "b": b}

def reference(x, edge_index, W, b):
    # GCNDecoder task='nc': single GraphConvolution with identity activation,
    # dropout=0 (inference). hidden = dropout(x) @ W + b; out = spmm(adj, hidden).
    hidden = jnp.dot(x, W) + b
    src = edge_index[0]
    dst = edge_index[1]
    msgs = jnp.take(hidden, src, axis=0)          # gather over source nodes
    out = jax.ops.segment_sum(msgs, dst, num_segments=x.shape[0])  # scatter-add to dst
    return out

if __name__ == "__main__":
    import jax
    _d = setup_inputs()
    print(jax.jit(kernel)(*tuple(_d.values())))

</pallas_src>

<mosaic_0001>
#map = affine_map<(d0, d1) -> (0, 0)>
#map1 = affine_map<(d0, d1) -> (0, 0, 0)>
module attributes {stable_mosaic.version = 14 : i64} {
  func.func @scatter(%arg0: i32, %arg1: i32, %arg2: memref<10000x48xbf16, #tpu.memory_space<hbm>>, %arg3: memref<32x40x128xi32, #tpu.memory_space<hbm>>, %arg4: memref<32x40x128xi32, #tpu.memory_space<hbm>>, %arg5: memref<10112x48xbf16, #tpu.memory_space<hbm>>, %arg6: memref<2x10112x48xbf16, #tpu.memory_space<hbm>>, %arg7: memref<40x128xi32, #tpu.memory_space<vmem>>, %arg8: memref<40x128xi32, #tpu.memory_space<vmem>>, %arg9: memref<4x128x48xbf16, #tpu.memory_space<vmem>>, %arg10: memref<10112x48xbf16, #tpu.memory_space<vmem_shared>>, %arg11: memref<10112x48xbf16, #tpu.memory_space<vmem_shared>>, %arg12: memref<4x!tpu.dma_semaphore, #tpu.memory_space<semaphore_mem>>, %arg13: memref<4x!tpu.dma_semaphore, #tpu.memory_space<semaphore_mem>>) attributes {dimension_semantics = [#tpu.dimension_semantics<core_parallel>, #tpu.dimension_semantics<subcore_parallel>], iteration_bounds = array<i64: 2, 16>, scalar_prefetch = 0 : i64, scratch_operands = 7 : i64, tpu.core_type = #tpu.core_type<sc_vector_subcore>, window_params = [{transform_indices = #map}, {transform_indices = #map1}, {transform_indices = #map1}, {transform_indices = #map}, {transform_indices = #map1}]} {
    %mul3A = arith.constant 16 : i32
    %mul3A_0 = arith.muli %arg0, %mul3A : i32
    %add3A = arith.addi %mul3A_0, %arg1 : i32
    %mul3A_1 = arith.constant 632 : i32
    %mul3A_2 = arith.muli %arg1, %mul3A_1 : i32
    %dma_start3A = arith.constant 0 : i32
    %dma_start3A_3 = tpu.memref_slice %arg12[%dma_start3A] : memref<4x!tpu.dma_semaphore, #tpu.memory_space<semaphore_mem>> -> memref<1x!tpu.dma_semaphore, #tpu.memory_space<semaphore_mem>>
    %dma_start3A_4 = tpu.memref_squeeze %dma_start3A_3 : memref<1x!tpu.dma_semaphore, #tpu.memory_space<semaphore_mem>> -> memref<!tpu.dma_semaphore, #tpu.memory_space<semaphore_mem>>
    %dma_start3A_5 = arith.constant 0 : i32
    %dma_start3A_6 = tpu.memref_slice %arg10[%mul3A_2, %dma_start3A_5] : memref<10112x48xbf16, #tpu.memory_space<vmem_shared>> -> memref<632x48xbf16, #tpu.memory_space<vmem_shared>>
    %dma_start3A_7 = arith.constant 0 : i32
    %dma_start3A_8 = tpu.memref_slice %arg5[%mul3A_2, %dma_start3A_7] : memref<10112x48xbf16, #tpu.memory_space<hbm>> -> memref<632x48xbf16, #tpu.memory_space<hbm>>
    tpu.enqueue_dma source(%dma_start3A_8 : memref<632x48xbf16, #tpu.memory_space<hbm>>) target(%dma_start3A_6 : memref<632x48xbf16, #tpu.memory_space<vmem_shared>>) target_semaphore(%dma_start3A_4 : memref<!tpu.dma_semaphore, #tpu.memory_space<semaphore_mem>>)
    %lt3A = arith.constant 15 : i32
    %lt3A_9 = arith.cmpi slt, %arg1, %lt3A : i32
    %convert_element_type3A = arith.extui %lt3A_9 : i1 to i32
    %cond3A = arith.constant 0 : i32
    %cond3A_10 = arith.cmpi ne, %convert_element_type3A, %cond3A : i32
    scf.if %cond3A_10 {
      %dma_start3A_321 = arith.constant 1 : i32
      %dma_start3A_322 = tpu.memref_slice %arg12[%dma_start3A_321] : memref<4x!tpu.dma_semaphore, #tpu.memory_space<semaphore_mem>> -> memref<1x!tpu.dma_semaphore, #tpu.memory_space<semaphore_mem>>
      %dma_start3A_323 = tpu.memref_squeeze %dma_start3A_322 : memref<1x!tpu.dma_semaphore, #tpu.memory_space<semaphore_mem>> -> memref<!tpu.dma_semaphore, #tpu.memory_space<semaphore_mem>>
      %dma_start3A_324 = arith.constant 0 : i32
      %dma_start3A_325 = tpu.memref_slice %arg11[%mul3A_2, %dma_start3A_324] : memref<10112x48xbf16, #tpu.memory_space<vmem_shared>> -> memref<632x48xbf16, #tpu.memory_space<vmem_shared>>
      %dma_start3A_326 = arith.constant 0 : i32
      %dma_start3A_327 = tpu.memref_slice %arg2[%mul3A_2, %dma_start3A_326] : memref<10000x48xbf16, #tpu.memory_space<hbm>> -> memref<632x48xbf16, #tpu.memory_space<hbm>>
      tpu.enqueue_dma source(%dma_start3A_327 : memref<632x48xbf16, #tpu.memory_space<hbm>>) target(%dma_start3A_325 : memref<632x48xbf16, #tpu.memory_space<vmem_shared>>) target_semaphore(%dma_start3A_323 : memref<!tpu.dma_semaphore, #tpu.memory_space<semaphore_mem>>)
    } else {
    }
    %eq3A = arith.constant 15 : i32
    %eq3A_11 = arith.cmpi eq, %arg1, %eq3A : i32
    %convert_element_type3A_12 = arith.extui %eq3A_11 : i1 to i32
    %cond3A_13 = arith.constant 0 : i32
    %cond3A_14 = arith.cmpi ne, %convert_element_type3A_12, %cond3A_13 : i32
    scf.if %cond3A_14 {
      %dma_start3A_321 = arith.constant 1 : i32
      %dma_start3A_322 = tpu.memref_slice %arg12[%dma_start3A_321] : memref<4x!tpu.dma_semaphore, #tpu.memory_space<semaphore_mem>> -> memref<1x!tpu.dma_semaphore, #tpu.memory_space<semaphore_mem>>
      %dma_start3A_323 = tpu.memref_squeeze %dma_start3A_322 : memref<1x!tpu.dma_semaphore, #tpu.memory_space<semaphore_mem>> -> memref<!tpu.dma_semaphore, #tpu.memory_space<semaphore_mem>>
      %dma_start3A_324 = arith.constant 9480 : i32
      %dma_start3A_325 = arith.constant 0 : i32
      %dma_start3A_326 = tpu.memref_slice %arg11[%dma_start3A_324, %dma_start3A_325] : memref<10112x48xbf16, #tpu.memory_space<vmem_shared>> -> memref<520x48xbf16, #tpu.memory_space<vmem_shared>>
      %dma_start3A_327 = arith.constant 9480 : i32
      %dma_start3A_328 = arith.constant 0 : i32
      %dma_start3A_329 = tpu.memref_slice %arg2[%dma_start3A_327, %dma_start3A_328] : memref<10000x48xbf16, #tpu.memory_space<hbm>> -> memref<520x48xbf16, #tpu.memory_space<hbm>>
      tpu.enqueue_dma source(%dma_start3A_329 : memref<520x48xbf16, #tpu.memory_space<hbm>>) target(%dma_start3A_326 : memref<520x48xbf16, #tpu.memory_space<vmem_shared>>) target_semaphore(%dma_start3A_323 : memref<!tpu.dma_semaphore, #tpu.memory_space<semaphore_mem>>)
    } else {
    }
    %dma_start3A_15 = arith.constant 2 : i32
    %dma_start3A_16 = arith.constant 0 : i32
    %dma_start3A_17 = arith.constant 0 : i32
    %dma_start3A_18 = tpu.memref_slice %arg3[%add3A, %dma_start3A_16, %dma_start3A_17] : memref<32x40x128xi32, #tpu.memory_space<hbm>> -> memref<1x40x128xi32, #tpu.memory_space<hbm>>
    %dma_start3A_19 = tpu.memref_squeeze %dma_start3A_18 : memref<1x40x128xi32, #tpu.memory_space<hbm>> -> memref<40x128xi32, #tpu.memory_space<hbm>>
    %dma_start3A_20 = tpu.memref_slice %arg12[%dma_start3A_15] : memref<4x!tpu.dma_semaphore, #tpu.memory_space<semaphore_mem>> -> memref<1x!tpu.dma_semaphore, #tpu.memory_space<semaphore_mem>>
    %dma_start3A_21 = tpu.memref_squeeze %dma_start3A_20 : memref<1x!tpu.dma_semaphore, #tpu.memory_space<semaphore_mem>> -> memref<!tpu.dma_semaphore, #tpu.memory_space<semaphore_mem>>
    %dma_start3A_22 = arith.constant 0 : i32
    %dma_start3A_23 = arith.constant 0 : i32
    %dma_start3A_24 = tpu.memref_slice %arg3[%add3A, %dma_start3A_22, %dma_start3A_23] : memref<32x40x128xi32, #tpu.memory_space<hbm>> -> memref<1x40x128xi32, #tpu.memory_space<hbm>>
    %dma_start3A_25 = tpu.memref_squeeze %dma_start3A_24 : memref<1x40x128xi32, #tpu.memory_space<hbm>> -> memref<40x128xi32, #tpu.memory_space<hbm>>
    tpu.enqueue_dma source(%dma_start3A_25 : memref<40x128xi32, #tpu.memory_space<hbm>>) target(%arg7 : memref<40x128xi32, #tpu.memory_space<vmem>>) target_semaphore(%dma_start3A_21 : memref<!tpu.dma_semaphore, #tpu.memory_space<semaphore_mem>>)
    %dma_start3A_26 = arith.constant 3 : i32
    %dma_start3A_27 = arith.constant 0 : i32
    %dma_start3A_28 = arith.constant 0 : i32
    %dma_start3A_29 = tpu.memref_slice %arg4[%add3A, %dma_start3A_27, %dma_start3A_28] : memref<32x40x128xi32, #tpu.memory_space<hbm>> -> memref<1x40x128xi32, #tpu.memory_space<hbm>>
    %dma_start3A_30 = tpu.memref_squeeze %dma_start3A_29 : memref<1x40x128xi32, #tpu.memory_space<hbm>> -> memref<40x128xi32, #tpu.memory_space<hbm>>
    %dma_start3A_31 = tpu.memref_slice %arg12[%dma_start3A_26] : memref<4x!tpu.dma_semaphore, #tpu.memory_space<semaphore_mem>> -> memref<1x!tpu.dma_semaphore, #tpu.memory_space<semaphore_mem>>
    %dma_start3A_32 = tpu.memref_squeeze %dma_start3A_31 : memref<1x!tpu.dma_semaphore, #tpu.memory_space<semaphore_mem>> -> memref<!tpu.dma_semaphore, #tpu.memory_space<semaphore_mem>>
    %dma_start3A_33 = arith.constant 0 : i32
    %dma_start3A_34 = arith.constant 0 : i32
    %dma_start3A_35 = tpu.memref_slice %arg4[%add3A, %dma_start3A_33, %dma_start3A_34] : memref<32x40x128xi32, #tpu.memory_space<hbm>> -> memref<1x40x128xi32, #tpu.memory_space<hbm>>
    %dma_start3A_36 = tpu.memref_squeeze %dma_start3A_35 : memref<1x40x128xi32, #tpu.memory_space<hbm>> -> memref<40x128xi32, #tpu.memory_space<hbm>>
    tpu.enqueue_dma source(%dma_start3A_36 : memref<40x128xi32, #tpu.memory_space<hbm>>) target(%arg8 : memref<40x128xi32, #tpu.memory_space<vmem>>) target_semaphore(%dma_start3A_32 : memref<!tpu.dma_semaphore, #tpu.memory_space<semaphore_mem>>)
    %dma_wait3A = arith.constant 0 : i32
    %dma_wait3A_37 = tpu.memref_slice %arg12[%dma_wait3A] : memref<4x!tpu.dma_semaphore, #tpu.memory_space<semaphore_mem>> -> memref<1x!tpu.dma_semaphore, #tpu.memory_space<semaphore_mem>>
    %dma_wait3A_38 = tpu.memref_squeeze %dma_wait3A_37 : memref<1x!tpu.dma_semaphore, #tpu.memory_space<semaphore_mem>> -> memref<!tpu.dma_semaphore, #tpu.memory_space<semaphore_mem>>
    %dma_wait3A_39 = arith.constant 0 : i32
    %dma_wait3A_40 = tpu.memref_slice %arg10[%mul3A_2, %dma_wait3A_39] : memref<10112x48xbf16, #tpu.memory_space<vmem_shared>> -> memref<632x48xbf16, #tpu.memory_space<vmem_shared>>
    %dma_wait3A_41 = arith.constant 0 : i32
    %dma_wait3A_42 = tpu.memref_slice %arg5[%mul3A_2, %dma_wait3A_41] : memref<10112x48xbf16, #tpu.memory_space<hbm>> -> memref<632x48xbf16, #tpu.memory_space<hbm>>
    tpu.wait_dma2 semaphore(%dma_wait3A_38 : memref<!tpu.dma_semaphore, #tpu.memory_space<semaphore_mem>>) src(%dma_wait3A_42 : memref<632x48xbf16, #tpu.memory_space<hbm>>) dst(%dma_wait3A_40 : memref<632x48xbf16, #tpu.memory_space<vmem_shared>>)
    %lt3A_43 = arith.constant 15 : i32
    %lt3A_44 = arith.cmpi slt, %arg1, %lt3A_43 : i32
    %convert_element_type3A_45 = arith.extui %lt3A_44 : i1 to i32
    %cond3A_46 = arith.constant 0 : i32
    %cond3A_47 = arith.cmpi ne, %convert_element_type3A_45, %cond3A_46 : i32
    scf.if %cond3A_47 {
      %dma_wait3A_321 = arith.constant 1 : i32
      %dma_wait3A_322 = tpu.memref_slice %arg12[%dma_wait3A_321] : memref<4x!tpu.dma_semaphore, #tpu.memory_space<semaphore_mem>> -> memref<1x!tpu.dma_semaphore, #tpu.memory_space<semaphore_mem>>
      %dma_wait3A_323 = tpu.memref_squeeze %dma_wait3A_322 : memref<1x!tpu.dma_semaphore, #tpu.memory_space<semaphore_mem>> -> memref<!tpu.dma_semaphore, #tpu.memory_space<semaphore_mem>>
      %dma_wait3A_324 = arith.constant 0 : i32
      %dma_wait3A_325 = tpu.memref_slice %arg11[%mul3A_2, %dma_wait3A_324] : memref<10112x48xbf16, #tpu.memory_space<vmem_shared>> -> memref<632x48xbf16, #tpu.memory_space<vmem_shared>>
      %dma_wait3A_326 = arith.constant 0 : i32
      %dma_wait3A_327 = tpu.memref_slice %arg2[%mul3A_2, %dma_wait3A_326] : memref<10000x48xbf16, #tpu.memory_space<hbm>> -> memref<632x48xbf16, #tpu.memory_space<hbm>>
      tpu.wait_dma2 semaphore(%dma_wait3A_323 : memref<!tpu.dma_semaphore, #tpu.memory_space<semaphore_mem>>) src(%dma_wait3A_327 : memref<632x48xbf16, #tpu.memory_space<hbm>>) dst(%dma_wait3A_325 : memref<632x48xbf16, #tpu.memory_space<vmem_shared>>)
    } else {
    }
    %eq3A_48 = arith.constant 15 : i32
    %eq3A_49 = arith.cmpi eq, %arg1, %eq3A_48 : i32
    %convert_element_type3A_50 = arith.extui %eq3A_49 : i1 to i32
    %cond3A_51 = arith.constant 0 : i32
    %cond3A_52 = arith.cmpi ne, %convert_element_type3A_50, %cond3A_51 : i32
    scf.if %cond3A_52 {
      %dma_wait3A_321 = arith.constant 1 : i32
      %dma_wait3A_322 = tpu.memref_slice %arg12[%dma_wait3A_321] : memref<4x!tpu.dma_semaphore, #tpu.memory_space<semaphore_mem>> -> memref<1x!tpu.dma_semaphore, #tpu.memory_space<semaphore_mem>>
      %dma_wait3A_323 = tpu.memref_squeeze %dma_wait3A_322 : memref<1x!tpu.dma_semaphore, #tpu.memory_space<semaphore_mem>> -> memref<!tpu.dma_semaphore, #tpu.memory_space<semaphore_mem>>
      %dma_wait3A_324 = arith.constant 9480 : i32
      %dma_wait3A_325 = arith.constant 0 : i32
      %dma_wait3A_326 = tpu.memref_slice %arg11[%dma_wait3A_324, %dma_wait3A_325] : memref<10112x48xbf16, #tpu.memory_space<vmem_shared>> -> memref<520x48xbf16, #tpu.memory_space<vmem_shared>>
      %dma_wait3A_327 = arith.constant 9480 : i32
      %dma_wait3A_328 = arith.constant 0 : i32
      %dma_wait3A_329 = tpu.memref_slice %arg2[%dma_wait3A_327, %dma_wait3A_328] : memref<10000x48xbf16, #tpu.memory_space<hbm>> -> memref<520x48xbf16, #tpu.memory_space<hbm>>
      tpu.wait_dma2 semaphore(%dma_wait3A_323 : memref<!tpu.dma_semaphore, #tpu.memory_space<semaphore_mem>>) src(%dma_wait3A_329 : memref<520x48xbf16, #tpu.memory_space<hbm>>) dst(%dma_wait3A_326 : memref<520x48xbf16, #tpu.memory_space<vmem_shared>>)
    } else {
    }
    %dma_wait3A_53 = arith.constant 2 : i32
    %dma_wait3A_54 = arith.constant 0 : i32
    %dma_wait3A_55 = arith.constant 0 : i32
    %dma_wait3A_56 = tpu.memref_slice %arg3[%add3A, %dma_wait3A_54, %dma_wait3A_55] : memref<32x40x128xi32, #tpu.memory_space<hbm>> -> memref<1x40x128xi32, #tpu.memory_space<hbm>>
    %dma_wait3A_57 = tpu.memref_squeeze %dma_wait3A_56 : memref<1x40x128xi32, #tpu.memory_space<hbm>> -> memref<40x128xi32, #tpu.memory_space<hbm>>
    %dma_wait3A_58 = tpu.memref_slice %arg12[%dma_wait3A_53] : memref<4x!tpu.dma_semaphore, #tpu.memory_space<semaphore_mem>> -> memref<1x!tpu.dma_semaphore, #tpu.memory_space<semaphore_mem>>
    %dma_wait3A_59 = tpu.memref_squeeze %dma_wait3A_58 : memref<1x!tpu.dma_semaphore, #tpu.memory_space<semaphore_mem>> -> memref<!tpu.dma_semaphore, #tpu.memory_space<semaphore_mem>>
    %dma_wait3A_60 = arith.constant 0 : i32
    %dma_wait3A_61 = arith.constant 0 : i32
    %dma_wait3A_62 = tpu.memref_slice %arg3[%add3A, %dma_wait3A_60, %dma_wait3A_61] : memref<32x40x128xi32, #tpu.memory_space<hbm>> -> memref<1x40x128xi32, #tpu.memory_space<hbm>>
    %dma_wait3A_63 = tpu.memref_squeeze %dma_wait3A_62 : memref<1x40x128xi32, #tpu.memory_space<hbm>> -> memref<40x128xi32, #tpu.memory_space<hbm>>
    tpu.wait_dma2 semaphore(%dma_wait3A_59 : memref<!tpu.dma_semaphore, #tpu.memory_space<semaphore_mem>>) src(%dma_wait3A_63 : memref<40x128xi32, #tpu.memory_space<hbm>>) dst(%arg7 : memref<40x128xi32, #tpu.memory_space<vmem>>)
    %dma_wait3A_64 = arith.constant 3 : i32
    %dma_wait3A_65 = arith.constant 0 : i32
    %dma_wait3A_66 = arith.constant 0 : i32
    %dma_wait3A_67 = tpu.memref_slice %arg4[%add3A, %dma_wait3A_65, %dma_wait3A_66] : memref<32x40x128xi32, #tpu.memory_space<hbm>> -> memref<1x40x128xi32, #tpu.memory_space<hbm>>
    %dma_wait3A_68 = tpu.memref_squeeze %dma_wait3A_67 : memref<1x40x128xi32, #tpu.memory_space<hbm>> -> memref<40x128xi32, #tpu.memory_space<hbm>>
    %dma_wait3A_69 = tpu.memref_slice %arg12[%dma_wait3A_64] : memref<4x!tpu.dma_semaphore, #tpu.memory_space<semaphore_mem>> -> memref<1x!tpu.dma_semaphore, #tpu.memory_space<semaphore_mem>>
    %dma_wait3A_70 = tpu.memref_squeeze %dma_wait3A_69 : memref<1x!tpu.dma_semaphore, #tpu.memory_space<semaphore_mem>> -> memref<!tpu.dma_semaphore, #tpu.memory_space<semaphore_mem>>
    %dma_wait3A_71 = arith.constant 0 : i32
    %dma_wait3A_72 = arith.constant 0 : i32
    %dma_wait3A_73 = tpu.memref_slice %arg4[%add3A, %dma_wait3A_71, %dma_wait3A_72] : memref<32x40x128xi32, #tpu.memory_space<hbm>> -> memref<1x40x128xi32, #tpu.memory_space<hbm>>
    %dma_wait3A_74 = tpu.memref_squeeze %dma_wait3A_73 : memref<1x40x128xi32, #tpu.memory_space<hbm>> -> memref<40x128xi32, #tpu.memory_space<hbm>>
    tpu.wait_dma2 semaphore(%dma_wait3A_70 : memref<!tpu.dma_semaphore, #tpu.memory_space<semaphore_mem>>) src(%dma_wait3A_74 : memref<40x128xi32, #tpu.memory_space<hbm>>) dst(%arg8 : memref<40x128xi32, #tpu.memory_space<vmem>>)
    %barrier3A = arith.constant 0 : index
    tpu.barrier barrier_id(%barrier3A)
    %dma_start3A_75 = arith.constant 0 : i32
    %dma_start3A_76 = arith.constant 0 : i32
    %dma_start3A_77 = arith.constant 0 : i32
    %dma_start3A_78 = arith.constant 0 : i32
    %dma_start3A_79 = arith.constant 0 : i32
    %dma_start3A_80 = tpu.memref_slice %arg9[%dma_start3A_76, %dma_start3A_78, %dma_start3A_79] : memref<4x128x48xbf16, #tpu.memory_space<vmem>> -> memref<1x128x48xbf16, #tpu.memory_space<vmem>>
    %dma_start3A_81 = tpu.memref_squeeze %dma_start3A_80 : memref<1x128x48xbf16, #tpu.memory_space<vmem>> -> memref<128x48xbf16, #tpu.memory_space<vmem>>
    %dma_start3A_82 = arith.constant 0 : i32
    %dma_start3A_83 = tpu.memref_slice %arg7[%dma_start3A_75, %dma_start3A_82] : memref<40x128xi32, #tpu.memory_space<vmem>> -> memref<1x128xi32, #tpu.memory_space<vmem>>
    %dma_start3A_84 = tpu.memref_squeeze %dma_start3A_83 : memref<1x128xi32, #tpu.memory_space<vmem>> -> memref<128xi32, #tpu.memory_space<vmem>>
    %dma_start3A_85 = arith.constant 0 : i32
    %dma_start3A_86 = arith.constant 0 : i32
    %dma_start3A_87 = tpu.memref_slice %arg11[%dma_start3A_85, %dma_start3A_86] : memref<10112x48xbf16, #tpu.memory_space<vmem_shared>> -> memref<10112x48xbf16, #tpu.memory_space<vmem_shared>>
    %dma_start3A_88 = tpu.memref_slice %arg12[%dma_start3A_77] : memref<4x!tpu.dma_semaphore, #tpu.memory_space<semaphore_mem>> -> memref<1x!tpu.dma_semaphore, #tpu.memory_space<semaphore_mem>>
    %dma_start3A_89 = tpu.memref_squeeze %dma_start3A_88 : memref<1x!tpu.dma_semaphore, #tpu.memory_space<semaphore_mem>> -> memref<!tpu.dma_semaphore, #tpu.memory_space<semaphore_mem>>
    tpu.enqueue_indirect_dma source(%dma_start3A_87 : memref<10112x48xbf16, #tpu.memory_space<vmem_shared>>) target(%dma_start3A_81 : memref<128x48xbf16, #tpu.memory_space<vmem>>) offsets(%dma_start3A_84 : memref<128xi32, #tpu.memory_space<vmem>>) semaphore(%dma_start3A_89 : memref<!tpu.dma_semaphore, #tpu.memory_space<semaphore_mem>>)
    %dma_start3A_90 = arith.constant 1 : i32
    %dma_start3A_91 = arith.constant 1 : i32
    %dma_start3A_92 = arith.constant 1 : i32
    %dma_start3A_93 = arith.constant 0 : i32
    %dma_start3A_94 = arith.constant 0 : i32
    %dma_start3A_95 = tpu.memref_slice %arg9[%dma_start3A_91, %dma_start3A_93, %dma_start3A_94] : memref<4x128x48xbf16, #tpu.memory_space<vmem>> -> memref<1x128x48xbf16, #tpu.memory_space<vmem>>
    %dma_start3A_96 = tpu.memref_squeeze %dma_start3A_95 : memref<1x128x48xbf16, #tpu.memory_space<vmem>> -> memref<128x48xbf16, #tpu.memory_space<vmem>>
    %dma_start3A_97 = arith.constant 0 : i32
    %dma_start3A_98 = tpu.memref_slice %arg7[%dma_start3A_90, %dma_start3A_97] : memref<40x128xi32, #tpu.memory_space<vmem>> -> memref<1x128xi32, #tpu.memory_space<vmem>>
    %dma_start3A_99 = tpu.memref_squeeze %dma_start3A_98 : memref<1x128xi32, #tpu.memory_space<vmem>> -> memref<128xi32, #tpu.memory_space<vmem>>
    %dma_start3A_100 = arith.constant 0 : i32
    %dma_start3A_101 = arith.constant 0 : i32
    %dma_start3A_102 = tpu.memref_slice %arg11[%dma_start3A_100, %dma_start3A_101] : memref<10112x48xbf16, #tpu.memory_space<vmem_shared>> -> memref<10112x48xbf16, #tpu.memory_space<vmem_shared>>
    %dma_start3A_103 = tpu.memref_slice %arg12[%dma_start3A_92] : memref<4x!tpu.dma_semaphore, #tpu.memory_space<semaphore_mem>> -> memref<1x!tpu.dma_semaphore, #tpu.memory_space<semaphore_mem>>
    %dma_start3A_104 = tpu.memref_squeeze %dma_start3A_103 : memref<1x!tpu.dma_semaphore, #tpu.memory_space<semaphore_mem>> -> memref<!tpu.dma_semaphore, #tpu.memory_space<semaphore_mem>>
    tpu.enqueue_indirect_dma source(%dma_start3A_102 : memref<10112x48xbf16, #tpu.memory_space<vmem_shared>>) target(%dma_start3A_96 : memref<128x48xbf16, #tpu.memory_space<vmem>>) offsets(%dma_start3A_99 : memref<128xi32, #tpu.memory_space<vmem>>) semaphore(%dma_start3A_104 : memref<!tpu.dma_semaphore, #tpu.memory_space<semaphore_mem>>)
    %dma_wait3A_105 = arith.constant 0 : i32
    %dma_wait3A_106 = arith.constant 0 : i32
    %dma_wait3A_107 = arith.constant 0 : i32
    %dma_wait3A_108 = arith.constant 0 : i32
    %dma_wait3A_109 = arith.constant 0 : i32
    %dma_wait3A_110 = tpu.memref_slice %arg9[%dma_wait3A_106, %dma_wait3A_108, %dma_wait3A_109] : memref<4x128x48xbf16, #tpu.memory_space<vmem>> -> memref<1x128x48xbf16, #tpu.memory_space<vmem>>
    %dma_wait3A_111 = tpu.memref_squeeze %dma_wait3A_110 : memref<1x128x48xbf16, #tpu.memory_space<vmem>> -> memref<128x48xbf16, #tpu.memory_space<vmem>>
    %dma_wait3A_112 = arith.constant 0 : i32
    %dma_wait3A_113 = tpu.memref_slice %arg7[%dma_wait3A_105, %dma_wait3A_112] : memref<40x128xi32, #tpu.memory_space<vmem>> -> memref<1x128xi32, #tpu.memory_space<vmem>>
    %dma_wait3A_114 = tpu.memref_squeeze %dma_wait3A_113 : memref<1x128xi32, #tpu.memory_space<vmem>> -> memref<128xi32, #tpu.memory_space<vmem>>
    %dma_wait3A_115 = arith.constant 0 : i32
    %dma_wait3A_116 = arith.constant 0 : i32
    %dma_wait3A_117 = tpu.memref_slice %arg11[%dma_wait3A_115, %dma_wait3A_116] : memref<10112x48xbf16, #tpu.memory_space<vmem_shared>> -> memref<10112x48xbf16, #tpu.memory_space<vmem_shared>>
    %dma_wait3A_118 = tpu.memref_slice %arg12[%dma_wait3A_107] : memref<4x!tpu.dma_semaphore, #tpu.memory_space<semaphore_mem>> -> memref<1x!tpu.dma_semaphore, #tpu.memory_space<semaphore_mem>>
    %dma_wait3A_119 = tpu.memref_squeeze %dma_wait3A_118 : memref<1x!tpu.dma_semaphore, #tpu.memory_space<semaphore_mem>> -> memref<!tpu.dma_semaphore, #tpu.memory_space<semaphore_mem>>
    tpu.wait_indirect_dma semaphore(%dma_wait3A_119 : memref<!tpu.dma_semaphore, #tpu.memory_space<semaphore_mem>>) src(%dma_wait3A_117 : memref<10112x48xbf16, #tpu.memory_space<vmem_shared>>) dst(%dma_wait3A_111 : memref<128x48xbf16, #tpu.memory_space<vmem>>)
    %dma_start3A_120 = arith.constant 0 : i32
    %dma_start3A_121 = arith.constant 0 : i32
    %dma_start3A_122 = arith.constant 0 : i32
    %dma_start3A_123 = arith.constant 0 : i32
    %dma_start3A_124 = arith.constant 0 : i32
    %dma_start3A_125 = tpu.memref_slice %arg9[%dma_start3A_120, %dma_start3A_123, %dma_start3A_124] : memref<4x128x48xbf16, #tpu.memory_space<vmem>> -> memref<1x128x48xbf16, #tpu.memory_space<vmem>>
    %dma_start3A_126 = tpu.memref_squeeze %dma_start3A_125 : memref<1x128x48xbf16, #tpu.memory_space<vmem>> -> memref<128x48xbf16, #tpu.memory_space<vmem>>
    %dma_start3A_127 = arith.constant 0 : i32
    %dma_start3A_128 = tpu.memref_slice %arg8[%dma_start3A_121, %dma_start3A_127] : memref<40x128xi32, #tpu.memory_space<vmem>> -> memref<1x128xi32, #tpu.memory_space<vmem>>
    %dma_start3A_129 = tpu.memref_squeeze %dma_start3A_128 : memref<1x128xi32, #tpu.memory_space<vmem>> -> memref<128xi32, #tpu.memory_space<vmem>>
    %dma_start3A_130 = arith.constant 0 : i32
    %dma_start3A_131 = arith.constant 0 : i32
    %dma_start3A_132 = tpu.memref_slice %arg10[%dma_start3A_130, %dma_start3A_131] : memref<10112x48xbf16, #tpu.memory_space<vmem_shared>> -> memref<10112x48xbf16, #tpu.memory_space<vmem_shared>>
    %dma_start3A_133 = tpu.memref_slice %arg13[%dma_start3A_122] : memref<4x!tpu.dma_semaphore, #tpu.memory_space<semaphore_mem>> -> memref<1x!tpu.dma_semaphore, #tpu.memory_space<semaphore_mem>>
    %dma_start3A_134 = tpu.memref_squeeze %dma_start3A_133 : memref<1x!tpu.dma_semaphore, #tpu.memory_space<semaphore_mem>> -> memref<!tpu.dma_semaphore, #tpu.memory_space<semaphore_mem>>
    tpu.enqueue_indirect_dma source(%dma_start3A_126 : memref<128x48xbf16, #tpu.memory_space<vmem>>) target(%dma_start3A_132 : memref<10112x48xbf16, #tpu.memory_space<vmem_shared>>) offsets(%dma_start3A_129 : memref<128xi32, #tpu.memory_space<vmem>>) semaphore(%dma_start3A_134 : memref<!tpu.dma_semaphore, #tpu.memory_space<semaphore_mem>>) {add = true}
    %dma_start3A_135 = arith.constant 2 : i32
    %dma_start3A_136 = arith.constant 2 : i32
    %dma_start3A_137 = arith.constant 2 : i32
    %dma_start3A_138 = arith.constant 0 : i32
    %dma_start3A_139 = arith.constant 0 : i32
    %dma_start3A_140 = tpu.memref_slice %arg9[%dma_start3A_136, %dma_start3A_138, %dma_start3A_139] : memref<4x128x48xbf16, #tpu.memory_space<vmem>> -> memref<1x128x48xbf16, #tpu.memory_space<vmem>>
    %dma_start3A_141 = tpu.memref_squeeze %dma_start3A_140 : memref<1x128x48xbf16, #tpu.memory_space<vmem>> -> memref<128x48xbf16, #tpu.memory_space<vmem>>
    %dma_start3A_142 = arith.constant 0 : i32
    %dma_start3A_143 = tpu.memref_slice %arg7[%dma_start3A_135, %dma_start3A_142] : memref<40x128xi32, #tpu.memory_space<vmem>> -> memref<1x128xi32, #tpu.memory_space<vmem>>
    %dma_start3A_144 = tpu.memref_squeeze %dma_start3A_143 : memref<1x128xi32, #tpu.memory_space<vmem>> -> memref<128xi32, #tpu.memory_space<vmem>>
    %dma_start3A_145 = arith.constant 0 : i32
    %dma_start3A_146 = arith.constant 0 : i32
    %dma_start3A_147 = tpu.memref_slice %arg11[%dma_start3A_145, %dma_start3A_146] : memref<10112x48xbf16, #tpu.memory_space<vmem_shared>> -> memref<10112x48xbf16, #tpu.memory_space<vmem_shared>>
    %dma_start3A_148 = tpu.memref_slice %arg12[%dma_start3A_137] : memref<4x!tpu.dma_semaphore, #tpu.memory_space<semaphore_mem>> -> memref<1x!tpu.dma_semaphore, #tpu.memory_space<semaphore_mem>>
    %dma_start3A_149 = tpu.memref_squeeze %dma_start3A_148 : memref<1x!tpu.dma_semaphore, #tpu.memory_space<semaphore_mem>> -> memref<!tpu.dma_semaphore, #tpu.memory_space<semaphore_mem>>
    tpu.enqueue_indirect_dma source(%dma_start3A_147 : memref<10112x48xbf16, #tpu.memory_space<vmem_shared>>) target(%dma_start3A_141 : memref<128x48xbf16, #tpu.memory_space<vmem>>) offsets(%dma_start3A_144 : memref<128xi32, #tpu.memory_space<vmem>>) semaphore(%dma_start3A_149 : memref<!tpu.dma_semaphore, #tpu.memory_space<semaphore_mem>>)
    %dma_wait3A_150 = arith.constant 1 : i32
    %dma_wait3A_151 = arith.constant 1 : i32
    %dma_wait3A_152 = arith.constant 1 : i32
    %dma_wait3A_153 = arith.constant 0 : i32
    %dma_wait3A_154 = arith.constant 0 : i32
    %dma_wait3A_155 = tpu.memref_slice %arg9[%dma_wait3A_151, %dma_wait3A_153, %dma_wait3A_154] : memref<4x128x48xbf16, #tpu.memory_space<vmem>> -> memref<1x128x48xbf16, #tpu.memory_space<vmem>>
    %dma_wait3A_156 = tpu.memref_squeeze %dma_wait3A_155 : memref<1x128x48xbf16, #tpu.memory_space<vmem>> -> memref<128x48xbf16, #tpu.memory_space<vmem>>
    %dma_wait3A_157 = arith.constant 0 : i32
    %dma_wait3A_158 = tpu.memref_slice %arg7[%dma_wait3A_150, %dma_wait3A_157] : memref<40x128xi32, #tpu.memory_space<vmem>> -> memref<1x128xi32, #tpu.memory_space<vmem>>
    %dma_wait3A_159 = tpu.memref_squeeze %dma_wait3A_158 : memref<1x128xi32, #tpu.memory_space<vmem>> -> memref<128xi32, #tpu.memory_space<vmem>>
    %dma_wait3A_160 = arith.constant 0 : i32
    %dma_wait3A_161 = arith.constant 0 : i32
    %dma_wait3A_162 = tpu.memref_slice %arg11[%dma_wait3A_160, %dma_wait3A_161] : memref<10112x48xbf16, #tpu.memory_space<vmem_shared>> -> memref<10112x48xbf16, #tpu.memory_space<vmem_shared>>
    %dma_wait3A_163 = tpu.memref_slice %arg12[%dma_wait3A_152] : memref<4x!tpu.dma_semaphore, #tpu.memory_space<semaphore_mem>> -> memref<1x!tpu.dma_semaphore, #tpu.memory_space<semaphore_mem>>
    %dma_wait3A_164 = tpu.memref_squeeze %dma_wait3A_163 : memref<1x!tpu.dma_semaphore, #tpu.memory_space<semaphore_mem>> -> memref<!tpu.dma_semaphore, #tpu.memory_space<semaphore_mem>>
    tpu.wait_indirect_dma semaphore(%dma_wait3A_164 : memref<!tpu.dma_semaphore, #tpu.memory_space<semaphore_mem>>) src(%dma_wait3A_162 : memref<10112x48xbf16, #tpu.memory_space<vmem_shared>>) dst(%dma_wait3A_156 : memref<128x48xbf16, #tpu.memory_space<vmem>>)
    %dma_start3A_165 = arith.constant 1 : i32
    %dma_start3A_166 = arith.constant 1 : i32
    %dma_start3A_167 = arith.constant 1 : i32
    %dma_start3A_168 = arith.constant 0 : i32
    %dma_start3A_169 = arith.constant 0 : i32
    %dma_start3A_170 = tpu.memref_slice %arg9[%dma_start3A_165, %dma_start3A_168, %dma_start3A_169] : memref<4x128x48xbf16, #tpu.memory_space<vmem>> -> memref<1x128x48xbf16, #tpu.memory_space<vmem>>
    %dma_start3A_171 = tpu.memref_squeeze %dma_start3A_170 : memref<1x128x48xbf16, #tpu.memory_space<vmem>> -> memref<128x48xbf16, #tpu.memory_space<vmem>>
    %dma_start3A_172 = arith.constant 0 : i32
    %dma_start3A_173 = tpu.memref_slice %arg8[%dma_start3A_166, %dma_start3A_172] : memref<40x128xi32, #tpu.memory_space<vmem>> -> memref<1x128xi32, #tpu.memory_space<vmem>>
    %dma_start3A_174 = tpu.memref_squeeze %dma_start3A_173 : memref<1x128xi32, #tpu.memory_space<vmem>> -> memref<128xi32, #tpu.memory_space<vmem>>
    %dma_start3A_175 = arith.constant 0 : i32
    %dma_start3A_176 = arith.constant 0 : i32
    %dma_start3A_177 = tpu.memref_slice %arg10[%dma_start3A_175, %dma_start3A_176] : memref<10112x48xbf16, #tpu.memory_space<vmem_shared>> -> memref<10112x48xbf16, #tpu.memory_space<vmem_shared>>
    %dma_start3A_178 = tpu.memref_slice %arg13[%dma_start3A_167] : memref<4x!tpu.dma_semaphore, #tpu.memory_space<semaphore_mem>> -> memref<1x!tpu.dma_semaphore, #tpu.memory_space<semaphore_mem>>
    %dma_start3A_179 = tpu.memref_squeeze %dma_start3A_178 : memref<1x!tpu.dma_semaphore, #tpu.memory_space<semaphore_mem>> -> memref<!tpu.dma_semaphore, #tpu.memory_space<semaphore_mem>>
    tpu.enqueue_indirect_dma source(%dma_start3A_171 : memref<128x48xbf16, #tpu.memory_space<vmem>>) target(%dma_start3A_177 : memref<10112x48xbf16, #tpu.memory_space<vmem_shared>>) offsets(%dma_start3A_174 : memref<128xi32, #tpu.memory_space<vmem>>) semaphore(%dma_start3A_179 : memref<!tpu.dma_semaphore, #tpu.memory_space<semaphore_mem>>) {add = true}
    %dma_start3A_180 = arith.constant 3 : i32
    %dma_start3A_181 = arith.constant 3 : i32
    %dma_start3A_182 = arith.constant 3 : i32
    %dma_start3A_183 = arith.constant 0 : i32
    %dma_start3A_184 = arith.constant 0 : i32
    %dma_start3A_185 = tpu.memref_slice %arg9[%dma_start3A_181, %dma_start3A_183, %dma_start3A_184] : memref<4x128x48xbf16, #tpu.memory_space<vmem>> -> memref<1x128x48xbf16, #tpu.memory_space<vmem>>
    %dma_start3A_186 = tpu.memref_squeeze %dma_start3A_185 : memref<1x128x48xbf16, #tpu.memory_space<vmem>> -> memref<128x48xbf16, #tpu.memory_space<vmem>>
    %dma_start3A_187 = arith.constant 0 : i32
    %dma_start3A_188 = tpu.memref_slice %arg7[%dma_start3A_180, %dma_start3A_187] : memref<40x128xi32, #tpu.memory_space<vmem>> -> memref<1x128xi32, #tpu.memory_space<vmem>>
    %dma_start3A_189 = tpu.memref_squeeze %dma_start3A_188 : memref<1x128xi32, #tpu.memory_space<vmem>> -> memref<128xi32, #tpu.memory_space<vmem>>
    %dma_start3A_190 = arith.constant 0 : i32
    %dma_start3A_191 = arith.constant 0 : i32
    %dma_start3A_192 = tpu.memref_slice %arg11[%dma_start3A_190, %dma_start3A_191] : memref<10112x48xbf16, #tpu.memory_space<vmem_shared>> -> memref<10112x48xbf16, #tpu.memory_space<vmem_shared>>
    %dma_start3A_193 = tpu.memref_slice %arg12[%dma_start3A_182] : memref<4x!tpu.dma_semaphore, #tpu.memory_space<semaphore_mem>> -> memref<1x!tpu.dma_semaphore, #tpu.memory_space<semaphore_mem>>
    %dma_start3A_194 = tpu.memref_squeeze %dma_start3A_193 : memref<1x!tpu.dma_semaphore, #tpu.memory_space<semaphore_mem>> -> memref<!tpu.dma_semaphore, #tpu.memory_space<semaphore_mem>>
    tpu.enqueue_indirect_dma source(%dma_start3A_192 : memref<10112x48xbf16, #tpu.memory_space<vmem_shared>>) target(%dma_start3A_186 : memref<128x48xbf16, #tpu.memory_space<vmem>>) offsets(%dma_start3A_189 : memref<128xi32, #tpu.memory_space<vmem>>) semaphore(%dma_start3A_194 : memref<!tpu.dma_semaphore, #tpu.memory_space<semaphore_mem>>)
    %dma_wait3A_195 = arith.constant 2 : i32
    %dma_wait3A_196 = arith.constant 2 : i32
    %dma_wait3A_197 = arith.constant 2 : i32
    %dma_wait3A_198 = arith.constant 0 : i32
    %dma_wait3A_199 = arith.constant 0 : i32
    %dma_wait3A_200 = tpu.memref_slice %arg9[%dma_wait3A_196, %dma_wait3A_198, %dma_wait3A_199] : memref<4x128x48xbf16, #tpu.memory_space<vmem>> -> memref<1x128x48xbf16, #tpu.memory_space<vmem>>
    %dma_wait3A_201 = tpu.memref_squeeze %dma_wait3A_200 : memref<1x128x48xbf16, #tpu.memory_space<vmem>> -> memref<128x48xbf16, #tpu.memory_space<vmem>>
    %dma_wait3A_202 = arith.constant 0 : i32
    %dma_wait3A_203 = tpu.memref_slice %arg7[%dma_wait3A_195, %dma_wait3A_202] : memref<40x128xi32, #tpu.memory_space<vmem>> -> memref<1x128xi32, #tpu.memory_space<vmem>>
    %dma_wait3A_204 = tpu.memref_squeeze %dma_wait3A_203 : memref<1x128xi32, #tpu.memory_space<vmem>> -> memref<128xi32, #tpu.memory_space<vmem>>
    %dma_wait3A_205 = arith.constant 0 : i32
    %dma_wait3A_206 = arith.constant 0 : i32
    %dma_wait3A_207 = tpu.memref_slice %arg11[%dma_wait3A_205, %dma_wait3A_206] : memref<10112x48xbf16, #tpu.memory_space<vmem_shared>> -> memref<10112x48xbf16, #tpu.memory_space<vmem_shared>>
    %dma_wait3A_208 = tpu.memref_slice %arg12[%dma_wait3A_197] : memref<4x!tpu.dma_semaphore, #tpu.memory_space<semaphore_mem>> -> memref<1x!tpu.dma_semaphore, #tpu.memory_space<semaphore_mem>>
    %dma_wait3A_209 = tpu.memref_squeeze %dma_wait3A_208 : memref<1x!tpu.dma_semaphore, #tpu.memory_space<semaphore_mem>> -> memref<!tpu.dma_semaphore, #tpu.memory_space<semaphore_mem>>
    tpu.wait_indirect_dma semaphore(%dma_wait3A_209 : memref<!tpu.dma_semaphore, #tpu.memory_space<semaphore_mem>>) src(%dma_wait3A_207 : memref<10112x48xbf16, #tpu.memory_space<vmem_shared>>) dst(%dma_wait3A_201 : memref<128x48xbf16, #tpu.memory_space<vmem>>)
    %dma_start3A_210 = arith.constant 2 : i32
    %dma_start3A_211 = arith.constant 2 : i32
    %dma_start3A_212 = arith.constant 2 : i32
    %dma_start3A_213 = arith.constant 0 : i32
    %dma_start3A_214 = arith.constant 0 : i32
    %dma_start3A_215 = tpu.memref_slice %arg9[%dma_start3A_210, %dma_start3A_213, %dma_start3A_214] : memref<4x128x48xbf16, #tpu.memory_space<vmem>> -> memref<1x128x48xbf16, #tpu.memory_space<vmem>>
    %dma_start3A_216 = tpu.memref_squeeze %dma_start3A_215 : memref<1x128x48xbf16, #tpu.memory_space<vmem>> -> memref<128x48xbf16, #tpu.memory_space<vmem>>
    %dma_start3A_217 = arith.constant 0 : i32
    %dma_start3A_218 = tpu.memref_slice %arg8[%dma_start3A_211, %dma_start3A_217] : memref<40x128xi32, #tpu.memory_space<vmem>> -> memref<1x128xi32, #tpu.memory_space<vmem>>
    %dma_start3A_219 = tpu.memref_squeeze %dma_start3A_218 : memref<1x128xi32, #tpu.memory_space<vmem>> -> memref<128xi32, #tpu.memory_space<vmem>>
    %dma_start3A_220 = arith.constant 0 : i32
    %dma_start3A_221 = arith.constant 0 : i32
    %dma_start3A_222 = tpu.memref_slice %arg10[%dma_start3A_220, %dma_start3A_221] : memref<10112x48xbf16, #tpu.memory_space<vmem_shared>> -> memref<10112x48xbf16, #tpu.memory_space<vmem_shared>>
    %dma_start3A_223 = tpu.memref_slice %arg13[%dma_start3A_212] : memref<4x!tpu.dma_semaphore, #tpu.memory_space<semaphore_mem>> -> memref<1x!tpu.dma_semaphore, #tpu.memory_space<semaphore_mem>>
    %dma_start3A_224 = tpu.memref_squeeze %dma_start3A_223 : memref<1x!tpu.dma_semaphore, #tpu.memory_space<semaphore_mem>> -> memref<!tpu.dma_semaphore, #tpu.memory_space<semaphore_mem>>
    tpu.enqueue_indirect_dma source(%dma_start3A_216 : memref<128x48xbf16, #tpu.memory_space<vmem>>) target(%dma_start3A_222 : memref<10112x48xbf16, #tpu.memory_space<vmem_shared>>) offsets(%dma_start3A_219 : memref<128xi32, #tpu.memory_space<vmem>>) semaphore(%dma_start3A_224 : memref<!tpu.dma_semaphore, #tpu.memory_space<semaphore_mem>>) {add = true}
    %scan3A = arith.constant 0 : i32
    %scan3A_225 = arith.constant 3 : i32
    %scan3A_226 = arith.constant 36 : i32
    %scan3A_227 = arith.addi %scan3A_225, %scan3A_226 : i32
    %scan3A_228 = arith.constant 1 : i32
    scf.for %scan3A_321 = %scan3A_225 to %scan3A_227 step %scan3A_228  : i32 {
      %rem3A = arith.constant 4 : i32
      %rem3A_322 = arith.remsi %scan3A_321, %rem3A : i32
      %add3A_323 = arith.constant 1 : i32
      %add3A_324 = arith.addi %scan3A_321, %add3A_323 : i32
      %rem3A_325 = arith.constant 4 : i32
      %rem3A_326 = arith.remsi %add3A_324, %rem3A_325 : i32
      %add3A_327 = arith.constant 1 : i32
      %add3A_328 = arith.addi %scan3A_321, %add3A_327 : i32
      %sub3A = arith.constant 4 : i32
      %sub3A_329 = arith.subi %add3A_328, %sub3A : i32
      %dma_wait3A_330 = arith.constant 0 : i32
      %dma_wait3A_331 = arith.constant 0 : i32
      %dma_wait3A_332 = tpu.memref_slice %arg9[%rem3A_326, %dma_wait3A_330, %dma_wait3A_331] : memref<4x128x48xbf16, #tpu.memory_space<vmem>> -> memref<1x128x48xbf16, #tpu.memory_space<vmem>>
      %dma_wait3A_333 = tpu.memref_squeeze %dma_wait3A_332 : memref<1x128x48xbf16, #tpu.memory_space<vmem>> -> memref<128x48xbf16, #tpu.memory_space<vmem>>
      %dma_wait3A_334 = arith.constant 0 : i32
      %dma_wait3A_335 = tpu.memref_slice %arg8[%sub3A_329, %dma_wait3A_334] : memref<40x128xi32, #tpu.memory_space<vmem>> -> memref<1x128xi32, #tpu.memory_space<vmem>>
      %dma_wait3A_336 = tpu.memref_squeeze %dma_wait3A_335 : memref<1x128xi32, #tpu.memory_space<vmem>> -> memref<128xi32, #tpu.memory_space<vmem>>
      %dma_wait3A_337 = arith.constant 0 : i32
      %dma_wait3A_338 = arith.constant 0 : i32
      %dma_wait3A_339 = tpu.memref_slice %arg10[%dma_wait3A_337, %dma_wait3A_338] : memref<10112x48xbf16, #tpu.memory_space<vmem_shared>> -> memref<10112x48xbf16, #tpu.memory_space<vmem_shared>>
      %dma_wait3A_340 = tpu.memref_slice %arg13[%rem3A_326] : memref<4x!tpu.dma_semaphore, #tpu.memory_space<semaphore_mem>> -> memref<1x!tpu.dma_semaphore, #tpu.memory_space<semaphore_mem>>
      %dma_wait3A_341 = tpu.memref_squeeze %dma_wait3A_340 : memref<1x!tpu.dma_semaphore, #tpu.memory_space<semaphore_mem>> -> memref<!tpu.dma_semaphore, #tpu.memory_space<semaphore_mem>>
      tpu.wait_indirect_dma semaphore(%dma_wait3A_341 : memref<!tpu.dma_semaphore, #tpu.memory_space<semaphore_mem>>) src(%dma_wait3A_333 : memref<128x48xbf16, #tpu.memory_space<vmem>>) dst(%dma_wait3A_339 : memref<10112x48xbf16, #tpu.memory_space<vmem_shared>>)
      %add3A_342 = arith.constant 1 : i32
      %add3A_343 = arith.addi %scan3A_321, %add3A_342 : i32
      %dma_start3A_344 = arith.constant 0 : i32
      %dma_start3A_345 = arith.constant 0 : i32
      %dma_start3A_346 = tpu.memref_slice %arg9[%rem3A_326, %dma_start3A_344, %dma_start3A_345] : memref<4x128x48xbf16, #tpu.memory_space<vmem>> -> memref<1x128x48xbf16, #tpu.memory_space<vmem>>
      %dma_start3A_347 = tpu.memref_squeeze %dma_start3A_346 : memref<1x128x48xbf16, #tpu.memory_space<vmem>> -> memref<128x48xbf16, #tpu.memory_space<vmem>>
      %dma_start3A_348 = arith.constant 0 : i32
      %dma_start3A_349 = tpu.memref_slice %arg7[%add3A_343, %dma_start3A_348] : memref<40x128xi32, #tpu.memory_space<vmem>> -> memref<1x128xi32, #tpu.memory_space<vmem>>
      %dma_start3A_350 = tpu.memref_squeeze %dma_start3A_349 : memref<1x128xi32, #tpu.memory_space<vmem>> -> memref<128xi32, #tpu.memory_space<vmem>>
      %dma_start3A_351 = arith.constant 0 : i32
      %dma_start3A_352 = arith.constant 0 : i32
      %dma_start3A_353 = tpu.memref_slice %arg11[%dma_start3A_351, %dma_start3A_352] : memref<10112x48xbf16, #tpu.memory_space<vmem_shared>> -> memref<10112x48xbf16, #tpu.memory_space<vmem_shared>>
      %dma_start3A_354 = tpu.memref_slice %arg12[%rem3A_326] : memref<4x!tpu.dma_semaphore, #tpu.memory_space<semaphore_mem>> -> memref<1x!tpu.dma_semaphore, #tpu.memory_space<semaphore_mem>>
      %dma_start3A_355 = tpu.memref_squeeze %dma_start3A_354 : memref<1x!tpu.dma_semaphore, #tpu.memory_space<semaphore_mem>> -> memref<!tpu.dma_semaphore, #tpu.memory_space<semaphore_mem>>
      tpu.enqueue_indirect_dma source(%dma_start3A_353 : memref<10112x48xbf16, #tpu.memory_space<vmem_shared>>) target(%dma_start3A_347 : memref<128x48xbf16, #tpu.memory_space<vmem>>) offsets(%dma_start3A_350 : memref<128xi32, #tpu.memory_space<vmem>>) semaphore(%dma_start3A_355 : memref<!tpu.dma_semaphore, #tpu.memory_space<semaphore_mem>>)
      %dma_wait3A_356 = arith.constant 0 : i32
      %dma_wait3A_357 = arith.constant 0 : i32
      %dma_wait3A_358 = tpu.memref_slice %arg9[%rem3A_322, %dma_wait3A_356, %dma_wait3A_357] : memref<4x128x48xbf16, #tpu.memory_space<vmem>> -> memref<1x128x48xbf16, #tpu.memory_space<vmem>>
      %dma_wait3A_359 = tpu.memref_squeeze %dma_wait3A_358 : memref<1x128x48xbf16, #tpu.memory_space<vmem>> -> memref<128x48xbf16, #tpu.memory_space<vmem>>
      %dma_wait3A_360 = arith.constant 0 : i32
      %dma_wait3A_361 = tpu.memref_slice %arg7[%scan3A_321, %dma_wait3A_360] : memref<40x128xi32, #tpu.memory_space<vmem>> -> memref<1x128xi32, #tpu.memory_space<vmem>>
      %dma_wait3A_362 = tpu.memref_squeeze %dma_wait3A_361 : memref<1x128xi32, #tpu.memory_space<vmem>> -> memref<128xi32, #tpu.memory_space<vmem>>
      %dma_wait3A_363 = arith.constant 0 : i32
      %dma_wait3A_364 = arith.constant 0 : i32
      %dma_wait3A_365 = tpu.memref_slice %arg11[%dma_wait3A_363, %dma_wait3A_364] : memref<10112x48xbf16, #tpu.memory_space<vmem_shared>> -> memref<10112x48xbf16, #tpu.memory_space<vmem_shared>>
      %dma_wait3A_366 = tpu.memref_slice %arg12[%rem3A_322] : memref<4x!tpu.dma_semaphore, #tpu.memory_space<semaphore_mem>> -> memref<1x!tpu.dma_semaphore, #tpu.memory_space<semaphore_mem>>
      %dma_wait3A_367 = tpu.memref_squeeze %dma_wait3A_366 : memref<1x!tpu.dma_semaphore, #tpu.memory_space<semaphore_mem>> -> memref<!tpu.dma_semaphore, #tpu.memory_space<semaphore_mem>>
      tpu.wait_indirect_dma semaphore(%dma_wait3A_367 : memref<!tpu.dma_semaphore, #tpu.memory_space<semaphore_mem>>) src(%dma_wait3A_365 : memref<10112x48xbf16, #tpu.memory_space<vmem_shared>>) dst(%dma_wait3A_359 : memref<128x48xbf16, #tpu.memory_space<vmem>>)
      %dma_start3A_368 = arith.constant 0 : i32
      %dma_start3A_369 = arith.constant 0 : i32
      %dma_start3A_370 = tpu.memref_slice %arg9[%rem3A_322, %dma_start3A_368, %dma_start3A_369] : memref<4x128x48xbf16, #tpu.memory_space<vmem>> -> memref<1x128x48xbf16, #tpu.memory_space<vmem>>
      %dma_start3A_371 = tpu.memref_squeeze %dma_start3A_370 : memref<1x128x48xbf16, #tpu.memory_space<vmem>> -> memref<128x48xbf16, #tpu.memory_space<vmem>>
      %dma_start3A_372 = arith.constant 0 : i32
      %dma_start3A_373 = tpu.memref_slice %arg8[%scan3A_321, %dma_start3A_372] : memref<40x128xi32, #tpu.memory_space<vmem>> -> memref<1x128xi32, #tpu.memory_space<vmem>>
      %dma_start3A_374 = tpu.memref_squeeze %dma_start3A_373 : memref<1x128xi32, #tpu.memory_space<vmem>> -> memref<128xi32, #tpu.memory_space<vmem>>
      %dma_start3A_375 = arith.constant 0 : i32
      %dma_start3A_376 = arith.constant 0 : i32
      %dma_start3A_377 = tpu.memref_slice %arg10[%dma_start3A_375, %dma_start3A_376] : memref<10112x48xbf16, #tpu.memory_space<vmem_shared>> -> memref<10112x48xbf16, #tpu.memory_space<vmem_shared>>
      %dma_start3A_378 = tpu.memref_slice %arg13[%rem3A_322] : memref<4x!tpu.dma_semaphore, #tpu.memory_space<semaphore_mem>> -> memref<1x!tpu.dma_semaphore, #tpu.memory_space<semaphore_mem>>
      %dma_start3A_379 = tpu.memref_squeeze %dma_start3A_378 : memref<1x!tpu.dma_semaphore, #tpu.memory_space<semaphore_mem>> -> memref<!tpu.dma_semaphore, #tpu.memory_space<semaphore_mem>>
      tpu.enqueue_indirect_dma source(%dma_start3A_371 : memref<128x48xbf16, #tpu.memory_space<vmem>>) target(%dma_start3A_377 : memref<10112x48xbf16, #tpu.memory_space<vmem_shared>>) offsets(%dma_start3A_374 : memref<128xi32, #tpu.memory_space<vmem>>) semaphore(%dma_start3A_379 : memref<!tpu.dma_semaphore, #tpu.memory_space<semaphore_mem>>) {add = true}
    }
    %scan3A_229 = arith.constant 36 : i32
    %dma_wait3A_230 = arith.constant 39 : i32
    %dma_wait3A_231 = arith.constant 3 : i32
    %dma_wait3A_232 = arith.constant 3 : i32
    %dma_wait3A_233 = arith.constant 0 : i32
    %dma_wait3A_234 = arith.constant 0 : i32
    %dma_wait3A_235 = tpu.memref_slice %arg9[%dma_wait3A_231, %dma_wait3A_233, %dma_wait3A_234] : memref<4x128x48xbf16, #tpu.memory_space<vmem>> -> memref<1x128x48xbf16, #tpu.memory_space<vmem>>
    %dma_wait3A_236 = tpu.memref_squeeze %dma_wait3A_235 : memref<1x128x48xbf16, #tpu.memory_space<vmem>> -> memref<128x48xbf16, #tpu.memory_space<vmem>>
    %dma_wait3A_237 = arith.constant 0 : i32
    %dma_wait3A_238 = tpu.memref_slice %arg7[%dma_wait3A_230, %dma_wait3A_237] : memref<40x128xi32, #tpu.memory_space<vmem>> -> memref<1x128xi32, #tpu.memory_space<vmem>>
    %dma_wait3A_239 = tpu.memref_squeeze %dma_wait3A_238 : memref<1x128xi32, #tpu.memory_space<vmem>> -> memref<128xi32, #tpu.memory_space<vmem>>
    %dma_wait3A_240 = arith.constant 0 : i32
    %dma_wait3A_241 = arith.constant 0 : i32
    %dma_wait3A_242 = tpu.memref_slice %arg11[%dma_wait3A_240, %dma_wait3A_241] : memref<10112x48xbf16, #tpu.memory_space<vmem_shared>> -> memref<10112x48xbf16, #tpu.memory_space<vmem_shared>>
    %dma_wait3A_243 = tpu.memref_slice %arg12[%dma_wait3A_232] : memref<4x!tpu.dma_semaphore, #tpu.memory_space<semaphore_mem>> -> memref<1x!tpu.dma_semaphore, #tpu.memory_space<semaphore_mem>>
    %dma_wait3A_244 = tpu.memref_squeeze %dma_wait3A_243 : memref<1x!tpu.dma_semaphore, #tpu.memory_space<semaphore_mem>> -> memref<!tpu.dma_semaphore, #tpu.memory_space<semaphore_mem>>
    tpu.wait_indirect_dma semaphore(%dma_wait3A_244 : memref<!tpu.dma_semaphore, #tpu.memory_space<semaphore_mem>>) src(%dma_wait3A_242 : memref<10112x48xbf16, #tpu.memory_space<vmem_shared>>) dst(%dma_wait3A_236 : memref<128x48xbf16, #tpu.memory_space<vmem>>)
    %dma_start3A_245 = arith.constant 3 : i32
    %dma_start3A_246 = arith.constant 39 : i32
    %dma_start3A_247 = arith.constant 3 : i32
    %dma_start3A_248 = arith.constant 0 : i32
    %dma_start3A_249 = arith.constant 0 : i32
    %dma_start3A_250 = tpu.memref_slice %arg9[%dma_start3A_245, %dma_start3A_248, %dma_start3A_249] : memref<4x128x48xbf16, #tpu.memory_space<vmem>> -> memref<1x128x48xbf16, #tpu.memory_space<vmem>>
    %dma_start3A_251 = tpu.memref_squeeze %dma_start3A_250 : memref<1x128x48xbf16, #tpu.memory_space<vmem>> -> memref<128x48xbf16, #tpu.memory_space<vmem>>
    %dma_start3A_252 = arith.constant 0 : i32
    %dma_start3A_253 = tpu.memref_slice %arg8[%dma_start3A_246, %dma_start3A_252] : memref<40x128xi32, #tpu.memory_space<vmem>> -> memref<1x128xi32, #tpu.memory_space<vmem>>
    %dma_start3A_254 = tpu.memref_squeeze %dma_start3A_253 : memref<1x128xi32, #tpu.memory_space<vmem>> -> memref<128xi32, #tpu.memory_space<vmem>>
    %dma_start3A_255 = arith.constant 0 : i32
    %dma_start3A_256 = arith.constant 0 : i32
    %dma_start3A_257 = tpu.memref_slice %arg10[%dma_start3A_255, %dma_start3A_256] : memref<10112x48xbf16, #tpu.memory_space<vmem_shared>> -> memref<10112x48xbf16, #tpu.memory_space<vmem_shared>>
    %dma_start3A_258 = tpu.memref_slice %arg13[%dma_start3A_247] : memref<4x!tpu.dma_semaphore, #tpu.memory_space<semaphore_mem>> -> memref<1x!tpu.dma_semaphore, #tpu.memory_space<semaphore_mem>>
    %dma_start3A_259 = tpu.memref_squeeze %dma_start3A_258 : memref<1x!tpu.dma_semaphore, #tpu.memory_space<semaphore_mem>> -> memref<!tpu.dma_semaphore, #tpu.memory_space<semaphore_mem>>
    tpu.enqueue_indirect_dma source(%dma_start3A_251 : memref<128x48xbf16, #tpu.memory_space<vmem>>) target(%dma_start3A_257 : memref<10112x48xbf16, #tpu.memory_space<vmem_shared>>) offsets(%dma_start3A_254 : memref<128xi32, #tpu.memory_space<vmem>>) semaphore(%dma_start3A_259 : memref<!tpu.dma_semaphore, #tpu.memory_space<semaphore_mem>>) {add = true}
    %dma_wait3A_260 = arith.constant 0 : i32
    %dma_wait3A_261 = arith.constant 36 : i32
    %dma_wait3A_262 = arith.constant 0 : i32
    %dma_wait3A_263 = arith.constant 0 : i32
    %dma_wait3A_264 = arith.constant 0 : i32
    %dma_wait3A_265 = tpu.memref_slice %arg9[%dma_wait3A_260, %dma_wait3A_263, %dma_wait3A_264] : memref<4x128x48xbf16, #tpu.memory_space<vmem>> -> memref<1x128x48xbf16, #tpu.memory_space<vmem>>
    %dma_wait3A_266 = tpu.memref_squeeze %dma_wait3A_265 : memref<1x128x48xbf16, #tpu.memory_space<vmem>> -> memref<128x48xbf16, #tpu.memory_space<vmem>>
    %dma_wait3A_267 = arith.constant 0 : i32
    %dma_wait3A_268 = tpu.memref_slice %arg8[%dma_wait3A_261, %dma_wait3A_267] : memref<40x128xi32, #tpu.memory_space<vmem>> -> memref<1x128xi32, #tpu.memory_space<vmem>>
    %dma_wait3A_269 = tpu.memref_squeeze %dma_wait3A_268 : memref<1x128xi32, #tpu.memory_space<vmem>> -> memref<128xi32, #tpu.memory_space<vmem>>
    %dma_wait3A_270 = arith.constant 0 : i32
    %dma_wait3A_271 = arith.constant 0 : i32
    %dma_wait3A_272 = tpu.memref_slice %arg10[%dma_wait3A_270, %dma_wait3A_271] : memref<10112x48xbf16, #tpu.memory_space<vmem_shared>> -> memref<10112x48xbf16, #tpu.memory_space<vmem_shared>>
    %dma_wait3A_273 = tpu.memref_slice %arg13[%dma_wait3A_262] : memref<4x!tpu.dma_semaphore, #tpu.memory_space<semaphore_mem>> -> memref<1x!tpu.dma_semaphore, #tpu.memory_space<semaphore_mem>>
    %dma_wait3A_274 = tpu.memref_squeeze %dma_wait3A_273 : memref<1x!tpu.dma_semaphore, #tpu.memory_space<semaphore_mem>> -> memref<!tpu.dma_semaphore, #tpu.memory_space<semaphore_mem>>
    tpu.wait_indirect_dma semaphore(%dma_wait3A_274 : memref<!tpu.dma_semaphore, #tpu.memory_space<semaphore_mem>>) src(%dma_wait3A_266 : memref<128x48xbf16, #tpu.memory_space<vmem>>) dst(%dma_wait3A_272 : memref<10112x48xbf16, #tpu.memory_space<vmem_shared>>)
    %dma_wait3A_275 = arith.constant 1 : i32
    %dma_wait3A_276 = arith.constant 37 : i32
    %dma_wait3A_277 = arith.constant 1 : i32
    %dma_wait3A_278 = arith.constant 0 : i32
    %dma_wait3A_279 = arith.constant 0 : i32
    %dma_wait3A_280 = tpu.memref_slice %arg9[%dma_wait3A_275, %dma_wait3A_278, %dma_wait3A_279] : memref<4x128x48xbf16, #tpu.memory_space<vmem>> -> memref<1x128x48xbf16, #tpu.memory_space<vmem>>
    %dma_wait3A_281 = tpu.memref_squeeze %dma_wait3A_280 : memref<1x128x48xbf16, #tpu.memory_space<vmem>> -> memref<128x48xbf16, #tpu.memory_space<vmem>>
    %dma_wait3A_282 = arith.constant 0 : i32
    %dma_wait3A_283 = tpu.memref_slice %arg8[%dma_wait3A_276, %dma_wait3A_282] : memref<40x128xi32, #tpu.memory_space<vmem>> -> memref<1x128xi32, #tpu.memory_space<vmem>>
    %dma_wait3A_284 = tpu.memref_squeeze %dma_wait3A_283 : memref<1x128xi32, #tpu.memory_space<vmem>> -> memref<128xi32, #tpu.memory_space<vmem>>
    %dma_wait3A_285 = arith.constant 0 : i32
    %dma_wait3A_286 = arith.constant 0 : i32
    %dma_wait3A_287 = tpu.memref_slice %arg10[%dma_wait3A_285, %dma_wait3A_286] : memref<10112x48xbf16, #tpu.memory_space<vmem_shared>> -> memref<10112x48xbf16, #tpu.memory_space<vmem_shared>>
    %dma_wait3A_288 = tpu.memref_slice %arg13[%dma_wait3A_277] : memref<4x!tpu.dma_semaphore, #tpu.memory_space<semaphore_mem>> -> memref<1x!tpu.dma_semaphore, #tpu.memory_space<semaphore_mem>>
    %dma_wait3A_289 = tpu.memref_squeeze %dma_wait3A_288 : memref<1x!tpu.dma_semaphore, #tpu.memory_space<semaphore_mem>> -> memref<!tpu.dma_semaphore, #tpu.memory_space<semaphore_mem>>
    tpu.wait_indirect_dma semaphore(%dma_wait3A_289 : memref<!tpu.dma_semaphore, #tpu.memory_space<semaphore_mem>>) src(%dma_wait3A_281 : memref<128x48xbf16, #tpu.memory_space<vmem>>) dst(%dma_wait3A_287 : memref<10112x48xbf16, #tpu.memory_space<vmem_shared>>)
    %dma_wait3A_290 = arith.constant 2 : i32
    %dma_wait3A_291 = arith.constant 38 : i32
    %dma_wait3A_292 = arith.constant 2 : i32
    %dma_wait3A_293 = arith.constant 0 : i32
    %dma_wait3A_294 = arith.constant 0 : i32
    %dma_wait3A_295 = tpu.memref_slice %arg9[%dma_wait3A_290, %dma_wait3A_293, %dma_wait3A_294] : memref<4x128x48xbf16, #tpu.memory_space<vmem>> -> memref<1x128x48xbf16, #tpu.memory_space<vmem>>
    %dma_wait3A_296 = tpu.memref_squeeze %dma_wait3A_295 : memref<1x128x48xbf16, #tpu.memory_space<vmem>> -> memref<128x48xbf16, #tpu.memory_space<vmem>>
    %dma_wait3A_297 = arith.constant 0 : i32
    %dma_wait3A_298 = tpu.memref_slice %arg8[%dma_wait3A_291, %dma_wait3A_297] : memref<40x128xi32, #tpu.memory_space<vmem>> -> memref<1x128xi32, #tpu.memory_space<vmem>>
    %dma_wait3A_299 = tpu.memref_squeeze %dma_wait3A_298 : memref<1x128xi32, #tpu.memory_space<vmem>> -> memref<128xi32, #tpu.memory_space<vmem>>
    %dma_wait3A_300 = arith.constant 0 : i32
    %dma_wait3A_301 = arith.constant 0 : i32
    %dma_wait3A_302 = tpu.memref_slice %arg10[%dma_wait3A_300, %dma_wait3A_301] : memref<10112x48xbf16, #tpu.memory_space<vmem_shared>> -> memref<10112x48xbf16, #tpu.memory_space<vmem_shared>>
    %dma_wait3A_303 = tpu.memref_slice %arg13[%dma_wait3A_292] : memref<4x!tpu.dma_semaphore, #tpu.memory_space<semaphore_mem>> -> memref<1x!tpu.dma_semaphore, #tpu.memory_space<semaphore_mem>>
    %dma_wait3A_304 = tpu.memref_squeeze %dma_wait3A_303 : memref<1x!tpu.dma_semaphore, #tpu.memory_space<semaphore_mem>> -> memref<!tpu.dma_semaphore, #tpu.memory_space<semaphore_mem>>
    tpu.wait_indirect_dma semaphore(%dma_wait3A_304 : memref<!tpu.dma_semaphore, #tpu.memory_space<semaphore_mem>>) src(%dma_wait3A_296 : memref<128x48xbf16, #tpu.memory_space<vmem>>) dst(%dma_wait3A_302 : memref<10112x48xbf16, #tpu.memory_space<vmem_shared>>)
    %dma_wait3A_305 = arith.constant 3 : i32
    %dma_wait3A_306 = arith.constant 39 : i32
    %dma_wait3A_307 = arith.constant 3 : i32
    %dma_wait3A_308 = arith.constant 0 : i32
    %dma_wait3A_309 = arith.constant 0 : i32
    %dma_wait3A_310 = tpu.memref_slice %arg9[%dma_wait3A_305, %dma_wait3A_308, %dma_wait3A_309] : memref<4x128x48xbf16, #tpu.memory_space<vmem>> -> memref<1x128x48xbf16, #tpu.memory_space<vmem>>
    %dma_wait3A_311 = tpu.memref_squeeze %dma_wait3A_310 : memref<1x128x48xbf16, #tpu.memory_space<vmem>> -> memref<128x48xbf16, #tpu.memory_space<vmem>>
    %dma_wait3A_312 = arith.constant 0 : i32
    %dma_wait3A_313 = tpu.memref_slice %arg8[%dma_wait3A_306, %dma_wait3A_312] : memref<40x128xi32, #tpu.memory_space<vmem>> -> memref<1x128xi32, #tpu.memory_space<vmem>>
    %dma_wait3A_314 = tpu.memref_squeeze %dma_wait3A_313 : memref<1x128xi32, #tpu.memory_space<vmem>> -> memref<128xi32, #tpu.memory_space<vmem>>
    %dma_wait3A_315 = arith.constant 0 : i32
    %dma_wait3A_316 = arith.constant 0 : i32
    %dma_wait3A_317 = tpu.memref_slice %arg10[%dma_wait3A_315, %dma_wait3A_316] : memref<10112x48xbf16, #tpu.memory_space<vmem_shared>> -> memref<10112x48xbf16, #tpu.memory_space<vmem_shared>>
    %dma_wait3A_318 = tpu.memref_slice %arg13[%dma_wait3A_307] : memref<4x!tpu.dma_semaphore, #tpu.memory_space<semaphore_mem>> -> memref<1x!tpu.dma_semaphore, #tpu.memory_space<semaphore_mem>>
    %dma_wait3A_319 = tpu.memref_squeeze %dma_wait3A_318 : memref<1x!tpu.dma_semaphore, #tpu.memory_space<semaphore_mem>> -> memref<!tpu.dma_semaphore, #tpu.memory_space<semaphore_mem>>
    tpu.wait_indirect_dma semaphore(%dma_wait3A_319 : memref<!tpu.dma_semaphore, #tpu.memory_space<semaphore_mem>>) src(%dma_wait3A_311 : memref<128x48xbf16, #tpu.memory_space<vmem>>) dst(%dma_wait3A_317 : memref<10112x48xbf16, #tpu.memory_space<vmem_shared>>)
    %barrier3A_320 = arith.constant 0 : index
    tpu.barrier barrier_id(%barrier3A_320)
    "tpu.region"() ({
      %run_scoped3A = tpu.sem_alloc : memref<!tpu.dma_semaphore, #tpu.memory_space<semaphore_mem>>
      %dma_start3A_321 = arith.constant 0 : i32
      %dma_start3A_322 = tpu.memref_slice %arg6[%arg0, %mul3A_2, %dma_start3A_321] : memref<2x10112x48xbf16, #tpu.memory_space<hbm>> -> memref<1x632x48xbf16, #tpu.memory_space<hbm>>
      %dma_start3A_323 = tpu.memref_squeeze %dma_start3A_322 : memref<1x632x48xbf16, #tpu.memory_space<hbm>> -> memref<632x48xbf16, #tpu.memory_space<hbm>>
      %dma_start3A_324 = arith.constant 0 : i32
      %dma_start3A_325 = tpu.memref_slice %arg10[%mul3A_2, %dma_start3A_324] : memref<10112x48xbf16, #tpu.memory_space<vmem_shared>> -> memref<632x48xbf16, #tpu.memory_space<vmem_shared>>
      tpu.enqueue_dma source(%dma_start3A_325 : memref<632x48xbf16, #tpu.memory_space<vmem_shared>>) target(%dma_start3A_323 : memref<632x48xbf16, #tpu.memory_space<hbm>>) target_semaphore(%run_scoped3A : memref<!tpu.dma_semaphore, #tpu.memory_space<semaphore_mem>>)
      %dma_wait3A_326 = arith.constant 0 : i32
      %dma_wait3A_327 = tpu.memref_slice %arg6[%arg0, %mul3A_2, %dma_wait3A_326] : memref<2x10112x48xbf16, #tpu.memory_space<hbm>> -> memref<1x632x48xbf16, #tpu.memory_space<hbm>>
      %dma_wait3A_328 = tpu.memref_squeeze %dma_wait3A_327 : memref<1x632x48xbf16, #tpu.memory_space<hbm>> -> memref<632x48xbf16, #tpu.memory_space<hbm>>
      %dma_wait3A_329 = arith.constant 0 : i32
      %dma_wait3A_330 = tpu.memref_slice %arg10[%mul3A_2, %dma_wait3A_329] : memref<10112x48xbf16, #tpu.memory_space<vmem_shared>> -> memref<632x48xbf16, #tpu.memory_space<vmem_shared>>
      tpu.wait_dma2 semaphore(%run_scoped3A : memref<!tpu.dma_semaphore, #tpu.memory_space<semaphore_mem>>) src(%dma_wait3A_330 : memref<632x48xbf16, #tpu.memory_space<vmem_shared>>) dst(%dma_wait3A_328 : memref<632x48xbf16, #tpu.memory_space<hbm>>)
      tpu.yield
    }) : () -> ()
    return
  }
}

module attributes {stable_mosaic.version = 14 : i64} {
  func.func @_mm_body(%arg0: i32, %arg1: memref<2000x256xf32, #tpu.memory_space<vmem>>, %arg2: memref<256x48xf32, #tpu.memory_space<vmem>>, %arg3: memref<1x48xf32, #tpu.memory_space<vmem>>, %arg4: memref<2000x48xbf16, #tpu.memory_space<vmem>>) attributes {dimension_semantics = [#tpu.dimension_semantics<arbitrary>], iteration_bounds = array<i64: 5>, scalar_prefetch = 0 : i64, scratch_operands = 0 : i64, tpu.core_type = #tpu.core_type<tc>, window_params = [{transform_indices = @transform_0, window_bounds = array<i64: 2000, 256>}, {pipeline_mode = #tpu.pipeline_mode<synchronous>, transform_indices = @transform_1, window_bounds = array<i64: 256, 48>}, {pipeline_mode = #tpu.pipeline_mode<synchronous>, transform_indices = @transform_2, window_bounds = array<i64: 1, 48>}, {transform_indices = @transform_3, window_bounds = array<i64: 2000, 48>}]} {
    %get3A = arith.constant 0 : index
    %get3A_0 = arith.constant 0 : index
    %get3A_1 = vector.load %arg1[%get3A, %get3A_0] : memref<2000x256xf32, #tpu.memory_space<vmem>>, vector<2000x256xf32>
    %get3A_2 = arith.constant 0 : index
    %get3A_3 = arith.constant 0 : index
    %get3A_4 = vector.load %arg2[%get3A_2, %get3A_3] : memref<256x48xf32, #tpu.memory_space<vmem>>, vector<256x48xf32>
    %dot_general3A = arith.constant dense<0.000000e+00> : vector<2000x48xf32>
    %dot_general3A_5 = tpu.matmul %get3A_1, %get3A_4, %dot_general3A {dimension_numbers = #tpu.dot_dimension_numbers<[1], [0], [0], [1], [0, 0, 1, 1], [], []>, transpose_lhs_hint = false} : vector<2000x256xf32>, vector<256x48xf32>, vector<2000x48xf32> -> vector<2000x48xf32>
    %get3A_6 = arith.constant 0 : index
    %get3A_7 = arith.constant 0 : index
    %get3A_8 = vector.load %arg3[%get3A_6, %get3A_7] : memref<1x48xf32, #tpu.memory_space<vmem>>, vector<1x48xf32>
    %add3A = vector.broadcast %get3A_8 : vector<1x48xf32> to vector<2000x48xf32>
    %add3A_9 = arith.addf %dot_general3A_5, %add3A : vector<2000x48xf32>
    %convert_element_type3A = arith.truncf %add3A_9 : vector<2000x48xf32> to vector<2000x48xbf16>
    %swap3A = arith.constant 0 : index
    %swap3A_10 = arith.constant 0 : index
    %swap3A_11 = vector.load %arg4[%swap3A, %swap3A_10] : memref<2000x48xbf16, #tpu.memory_space<vmem>>, vector<2000x48xbf16>
    tpu.vector_store %arg4[%swap3A, %swap3A_10], %convert_element_type3A {strides = array<i32>} : memref<2000x48xbf16, #tpu.memory_space<vmem>>, vector<2000x48xbf16>,
    return
  }
  func.func @transform_0(%arg0: i32) -> (i32, i32) {
    %c0_i32 = arith.constant 0 : i32
    %c0_i32_0 = arith.constant 0 : i32
    return %arg0, %c0_i32 : i32, i32
  }
  func.func @transform_1(%arg0: i32) -> (i32, i32) {
    %c0_i32 = arith.constant 0 : i32
    %c0_i32_0 = arith.constant 0 : i32
    %c0_i32_1 = arith.constant 0 : i32
    return %c0_i32, %c0_i32_0 : i32, i32
  }
  func.func @transform_2(%arg0: i32) -> (i32, i32) {
    %c0_i32 = arith.constant 0 : i32
    %c0_i32_0 = arith.constant 0 : i32
    %c0_i32_1 = arith.constant 0 : i32
    return %c0_i32, %c0_i32_0 : i32, i32
  }
  func.func @transform_3(%arg0: i32) -> (i32, i32) {
    %c0_i32 = arith.constant 0 : i32
    %c0_i32_0 = arith.constant 0 : i32
    return %arg0, %c0_i32 : i32, i32
  }
}

module attributes {stable_mosaic.version = 14 : i64} {
  func.func @_add_body(%arg0: i32, %arg1: memref<2x1000x48xbf16, #tpu.memory_space<vmem>>, %arg2: memref<1000x40xf32, #tpu.memory_space<vmem>>) attributes {dimension_semantics = [#tpu.dimension_semantics<arbitrary>], iteration_bounds = array<i64: 10>, scalar_prefetch = 0 : i64, scratch_operands = 0 : i64, tpu.core_type = #tpu.core_type<tc>, window_params = [{transform_indices = @transform_0, window_bounds = array<i64: 2, 1000, 48>}, {transform_indices = @transform_1, window_bounds = array<i64: 1000, 40>}]} {
    %get3A = arith.constant 0 : index
    %get3A_0 = arith.constant 0 : index
    %get3A_1 = arith.constant 0 : index
    %get3A_2 = vector.load %arg1[%get3A, %get3A_0, %get3A_1] : memref<2x1000x48xbf16, #tpu.memory_space<vmem>>, vector<1x1000x48xbf16>
    %get3A_3 = vector.shape_cast %get3A_2 : vector<1x1000x48xbf16> to vector<1000x48xbf16>
    %convert_element_type3A = arith.extf %get3A_3 : vector<1000x48xbf16> to vector<1000x48xf32>
    %get3A_4 = arith.constant 1 : index
    %get3A_5 = arith.constant 0 : index
    %get3A_6 = arith.constant 0 : index
    %get3A_7 = vector.load %arg1[%get3A_4, %get3A_5, %get3A_6] : memref<2x1000x48xbf16, #tpu.memory_space<vmem>>, vector<1x1000x48xbf16>
    %get3A_8 = vector.shape_cast %get3A_7 : vector<1x1000x48xbf16> to vector<1000x48xbf16>
    %convert_element_type3A_9 = arith.extf %get3A_8 : vector<1000x48xbf16> to vector<1000x48xf32>
    %add3A = arith.addf %convert_element_type3A, %convert_element_type3A_9 : vector<1000x48xf32>
    %slice3A = vector.extract_strided_slice %add3A {offsets = [0, 0], sizes = [1000, 40], strides = [1, 1]} : vector<1000x48xf32> to vector<1000x40xf32>
    %swap3A = arith.constant 0 : index
    %swap3A_10 = arith.constant 0 : index
    %swap3A_11 = vector.load %arg2[%swap3A, %swap3A_10] : memref<1000x40xf32, #tpu.memory_space<vmem>>, vector<1000x40xf32>
    tpu.vector_store %arg2[%swap3A, %swap3A_10], %slice3A {strides = array<i32>} : memref<1000x40xf32, #tpu.memory_space<vmem>>, vector<1000x40xf32>,
    return
  }
  func.func @transform_0(%arg0: i32) -> (i32, i32, i32) {
    %c0_i32 = arith.constant 0 : i32
    %c0_i32_0 = arith.constant 0 : i32
    %c0_i32_1 = arith.constant 0 : i32
    return %c0_i32, %arg0, %c0_i32_0 : i32, i32, i32
  }
  func.func @transform_1(%arg0: i32) -> (i32, i32) {
    %c0_i32 = arith.constant 0 : i32
    %c0_i32_0 = arith.constant 0 : i32
    return %arg0, %c0_i32 : i32, i32
  }
}

</mosaic_0001>

<sc_bundles>
// kernel: kernel.5.cloned.1.call-start
scs
__scs_entry_jumppad:
0x0: {  	(pc) =	sbr.rel $0x88, $3  }
0x1: {  	(tag) =	ssettag $0x0;
	lr =	simm.s32 $0x1  }
0x2: {  	[smem:$0x3F9D] =	sst lr;
	_ =	strace $0xD0000000  }
0x3: {  	_ = 	snop  }
0x4: {  	_ = 	snop  }
0x5: {  	_ = 	snop  }
0x6: {  	_ = 	snop  }
0x7: {  	_ = 	snop  }
__scs_overlays_trampoline_lowered:
0x8: {  	[smem:$0x3FAC] =	sst s0  }
0x9: {  	[smem:$0x3FAD] =	sst s1  }
0xa: {  	[smem:$0x3FAE] =	sst s2  }
0xb: {  	[smem:$0x3FAF] =	sst s3  }
0xc: {  	[smem:$0x3FB0] =	sst s4  }
0xd: {  	[smem:$0x3FB1] =	sst s5  }
0xe: {  	[smem:$0x3FB2] =	sst s6  }
0xf: {  	[smem:$0x3FB3] =	sst s7  }
0x10: {  	[smem:$0x3FB4] =	sst s8  }
0x11: {  	[smem:$0x3FB5] =	sst s9;
	s0 =	simm.s32 @!p0 $0x0  }
0x12: {  	s1 =	sld [smem:$0x3F9B];
	s0 =	simm.s32 @p0 $0x1  }
0x13: {  	[smem:$0x3FB6] =	sst s0;
	s0 =	simm.s32 @!p1 $0x0  }
0x14: {  	s2 =	sld [smem:$0x3F9A];
	s0 =	simm.s32 @p1 $0x1  }
0x15: {  	[smem:$0x3FB7] =	sst s0;
	s0 =	simm.s32 @!p2 $0x0  }
0x16: {  	s3 =	sld [smem:$0x3FDB];
	s0 =	simm.s32 @p2 $0x1  }
0x17: {  	s4 =	simm.s32 $0x1BF5;
	[smem:$0x3FB9] =	sst s0  }
0x18: {  	s0 =	sld [smem:$0x3F9C];
	_ =	swait.ge [sflag:s4], $0x0  }
0x19: {  	s7 =	sld [smem:$0x3F9D]  }
0x1a: {  	s8 =	sadd.s32 $0xFFFFE003, lr  }
0x1b: {  	s9 =	sadd.s32 $0xFFFFFEF7, lr;
	s5 =	simm.s32 $0xFFFFFFFF;
	p2 =	slt.u32 s8, $0xFFFFF086  }
0x1c: {  	p1 =	slt.u32 s9, $0xF7A;
	s5 =	simm.s32 @!p2 $0x0  }
0x1d: {  	s5 =	simm.s32 @p1 $0x1;
	p0 =	seq.s32 s7, s2  }
0x1e: {  	s7 =	smul.u32 @!p0 $0xF7A, s2;
	p2 =	seq.s32 @!p0 s5, $0x0  }
0x1f: {  	s9 =	smul.u32 $0xF7A, s1;
	s8 =	simm.s32 @!p0 $0x1BF5;
	p2 =	por !p2, p0  }
0x20: {  	[sflag:s8] =	ssyncset.s32 @!p0 $0xFFFFF086;
	s6 =	sadd.s32 @!p0 s3, s7;
	s7 =	simm.s32 @!p0 $0x108  }
0x21: {  	s3 =	sadd.s32 s3, s9;
	s6 =	sadd.s32 @!p0 $0x88, s6;
	s7 =	simm.s32 @p2 $0x1082  }
0x22: {  	[simem:s7], [sflag:s8] =	dma.local @!p0 [hbm:s6], $0xF7A  }
0x23: {  	s9 =	sor.u32 $0xD0000000, s2;
	s6 =	simm.s32 $0x108;
	_ =	swait.ge @!p0 [sflag:s8], $0x0  }
0x24: {  	s3 =	sadd.s32 $0x88, s3;
	s6 =	simm.s32 @!p1 $0x1082;
	[sflag:s4] =	ssyncset.s32 $0xFFFFF086  }
0x25: {  	[simem:s6], [sflag:s4] =	dma.local [hbm:s3], $0xF7A  }
0x26: {  	[smem:$0x3F9D] =	sst s1;
	(tag) =	ssettag s2;
	_ =	strace s9  }
0x27: {  	s1 =	sld [smem:$0x3FAD]  }
0x28: {  	s2 =	sld [smem:$0x3FAE]  }
0x29: {  	s4 =	sld [smem:$0x3FB0]  }
0x2a: {  	p0 =	seq.s32 s5, $0x0;
	s5 =	sld [smem:$0x3FB1]  }
0x2b: {  	s6 =	sld [smem:$0x3FB2]  }
0x2c: {  	s7 =	sld [smem:$0x3FB3]  }
0x2d: {  	s3 =	simm.s32 $0x108;
	s8 =	sld [smem:$0x3FB4]  }
0x2e: {  	s3 =	simm.s32 @!p0 $0x1082;
	s9 =	sld [smem:$0x3FB5]  }
0x2f: {  	lr =	sadd.s32 s0, s3;
	s0 =	sld [smem:$0x3FAC]  }
0x30: {  	s3 =	sld [smem:$0x3FAF]  }
0x31: {  	[smem:$0x3FB8] =	sst s10  }
0x32: {  	s10 =	sld [smem:$0x3FB6];
	_ =	sdelay $0x3  }
0x33: {  	p0 =	seq.s32 s10, $0x1;
	s10 =	sld [smem:$0x3FB8];
	_ =	sdelay $0x3  }
0x34: {  	[smem:$0x3FB8] =	sst s10  }
0x35: {  	s10 =	sld [smem:$0x3FB7];
	_ =	sdelay $0x3  }
0x36: {  	p1 =	seq.s32 s10, $0x1;
	s10 =	sld [smem:$0x3FB8];
	_ =	sdelay $0x3  }
0x37: {  	[smem:$0x3FB8] =	sst s10  }
0x38: {  	s10 =	sld [smem:$0x3FB9]  }
0x39: {  	_ = 	snop;
	(pc) =	sbr.ind lr, $3  }
0x3a: {  	_ = 	snop  }
0x3b: {  	_ = 	snop  }
0x3c: {  	p2 =	seq.s32 s10, $0x1;
	s10 =	sld [smem:$0x3FB8]  }
0x3d: {  	_ =	shalt  }
0x3e: {  	_ =	shalt  }
0x3f: {  	_ =	shalt  }
0x40: {  	_ =	shalt  }
0x41: {  	_ =	shalt  }
0x42: {  	_ =	shalt  }
0x43: {  	_ =	shalt  }
0x44: {  	_ =	shalt  }
0x45: {  	_ =	shalt  }
0x46: {  	_ =	shalt  }
0x47: {  	_ =	shalt  }
0x48: {  	_ =	shalt  }
0x49: {  	_ =	shalt  }
0x4a: {  	_ =	shalt  }
0x4b: {  	_ =	shalt  }
0x4c: {  	_ =	shalt  }
0x4d: {  	_ =	shalt  }
0x4e: {  	_ =	shalt  }
0x4f: {  	_ =	shalt  }
0x50: {  	_ =	shalt  }
0x51: {  	_ =	shalt  }
0x52: {  	_ =	shalt  }
0x53: {  	_ =	shalt  }
0x54: {  	_ =	shalt  }
0x55: {  	_ =	shalt  }
0x56: {  	_ =	shalt  }
0x57: {  	_ =	shalt  }
0x58: {  	_ =	shalt  }
0x59: {  	_ =	shalt  }
0x5a: {  	_ =	shalt  }
0x5b: {  	_ =	shalt  }
0x5c: {  	_ =	shalt  }
0x5d: {  	_ =	shalt  }
0x5e: {  	_ =	shalt  }
0x5f: {  	_ =	shalt  }
0x60: {  	_ =	shalt  }
0x61: {  	_ =	shalt  }
0x62: {  	_ =	shalt  }
0x63: {  	_ =	shalt  }
0x64: {  	_ =	shalt  }
0x65: {  	_ =	shalt  }
0x66: {  	_ =	shalt  }
0x67: {  	_ =	shalt  }
0x68: {  	_ =	shalt  }
0x69: {  	_ =	shalt  }
0x6a: {  	_ =	shalt  }
0x6b: {  	_ =	shalt  }
0x6c: {  	_ =	shalt  }
0x6d: {  	_ =	shalt  }
0x6e: {  	_ =	shalt  }
0x6f: {  	_ =	shalt  }
0x70: {  	_ =	shalt  }
0x71: {  	_ =	shalt  }
0x72: {  	_ =	shalt  }
0x73: {  	_ =	shalt  }
0x74: {  	_ =	shalt  }
0x75: {  	_ =	shalt  }
0x76: {  	_ =	shalt  }
0x77: {  	_ =	shalt  }
0x78: {  	_ =	shalt  }
0x79: {  	_ =	shalt  }
0x7a: {  	_ =	shalt  }
0x7b: {  	_ =	shalt  }
0x7c: {  	_ =	shalt  }
0x7d: {  	_ =	shalt  }
0x7e: {  	_ =	shalt  }
0x7f: {  	_ =	shalt  }
0x80: {  	_ =	shalt  }
0x81: {  	_ =	shalt  }
0x82: {  	_ =	shalt  }
0x83: {  	_ =	shalt  }
0x84: {  	_ =	shalt  }
0x85: {  	_ =	shalt  }
0x86: {  	_ =	shalt  }
0x87: {  	_ =	shalt  }
.Lfunc_end0:
.L_simem_size_0:
called_computation_lowered:
.L_overlay_start_0:
0x88: {  	s2 =	sld [smem:$0x3FD9]  }
0x89: {  	s3 =	sld [smem:$0x3FFE];
	_ =	sdelay $0x1  }
0x8a: {  	s1 =	srdreg.scid  }
0x8b: {  	s0 =	sand.u32 $0x1, s1  }
0x8c: {  	s17 =	sshll.u32 s0, $0xA;
	s2 =	sadd.s32 s3, s2  }
0x8d: {  	s2 =	sadd.s32 s2, s17  }
0x8e: {  	[smem:$0x3FC4] =	sst s2  }
0x8f: {  	_ = 	snop  }
0x90: {  	s2 =	sld [smem:$0x3FD0];
	(tm) =	ssettm $0x1  }
0x91: {  	s18 =	sld [smem:$0x3FFB];
	_ =	sdelay $0x3  }
0x92: {  	_ =	strace s18  }
0x93: {  	s3 =	sld [smem:$0x3FFC];
	_ =	sdelay $0x3  }
0x94: {  	_ =	strace s3  }
0x95: {  	s3 =	sld [smem:$0x3FFD];
	_ =	sdelay $0x3  }
0x96: {  	_ =	strace s3  }
0x97: {  	_ =	strace $0x8FFFFFFF  }
0x98: {  	s19 =	sld [smem:$0x3FDB];
	_ =	sdelay $0x1  }
0x99: {  	s4 =	simm.s32 $_scs_section_size  }
0x9a: {  	s5 =	simm.s32 $_size__tile_overlayer_lowered;
	s6 =	simm.s32 $_tile_overlayer_lowered  }
0x9b: {  	s22 =	simm.s32 $0x1BFF;
	s21 =	sshll.u32 s6, $0x1;
	s3 =	sadd.s32 s4, s19  }
0x9c: {  	s7 =	simm.s32 $0x0;
	s20 =	sshll.u32 s5, $0x1;
	s5 =	sadd.s32 s21, s3  }
0x9d: {  	[timem:s7], [sflag:s22] =	dma.local [hbm:s5], s20  }
0x9e: {  	_ =	swait.ge [sflag:s22], s20  }
0x9f: {  	s4 =	ssub.s32 $0x0, s20;
	[sflag:s22] =	ssyncset.done $0x0  }
0xa0: {  	[sflag:s22] =	ssyncadd.s32 s4;
	_ =	sdelay $0x1  }
0xa1: {  	s23 =	simm.s32 $0x1B8B  }
0xa2: {  	_ =	swait.ge [sflag:s23], $0x1  }
0xa3: {  	[sflag:s23] =	ssyncset.done $0x0  }
0xa4: {  	s25 =	simm.s32 $0x1B8E;
	s24 =	sld [smem:$0x3FFE];
	[sflag:s23] =	ssyncadd.s32 $0xFFFFFFFF  }
0xa5: {  	s26 =	simm.s32 $execute0_lowered;
	[smem:$0x3FD2] =	sst s25  }
0xa6: {  	s5 =	sshll.u32 s26, $0x1;
	_ =	strace $0x80000046;
	[dreg:$0x1] =	wrdreg $0xFFFFFFFF  }
0xa7: {  	s28 =	simm.s32 $_size_execute0_lowered;
	s3 =	sadd.s32 s3, s5;
	[dreg:$0x0] =	wrdreg $0x0  }
0xa8: {  	s5 =	sshll.u32 s28, $0x1;
	[dreg:$0x2] =	wrdreg s3  }
0xa9: {  	[dreg:$0x3] =	wrdreg s5  }
0xaa: {  	[dreg:$0x4] =	wrdreg $0xC0  }
0xab: {  	_ =	task [dreg:s7], $0x5FFFF  }
0xac: {  	[dreg:$0x1] =	wrdreg $0xFFFFFFFF  }
0xad: {  	[dreg:$0x0] =	wrdreg $0x60  }
0xae: {  	[dreg:$0x2] =	wrdreg s24  }
0xaf: {  	[dreg:$0x3] =	wrdreg s2  }
0xb0: {  	[dreg:$0x4] =	wrdreg $0x58000  }
0xb1: {  	[dreg:$0x5] =	wrdreg $0x93400  }
0xb2: {  	[dreg:$0x6] =	wrdreg $0x9  }
0xb3: {  	_ =	task.clear_ibuf [dreg:s7], $0x7FFFF;
	_ =	strace $0x90000046  }
0xb4: {  	s29 =	simm.s32 $0x9;
	_ =	strace $0x80000048  }
0xb5: {  	_ =	swait.ge [sflag:s29], $0x1  }
0xb6: {  	[sflag:s29] =	ssyncadd.s32 $0xFFFFFFFF  }
0xb7: {  	_ =	strace $0x90000048  }
0xb8: {  	_ =	sfence  }
0xb9: {  	s30 =	sld [smem:$0x0];
	_ =	sdelay $0x2  }
0xba: {  	s31 =	sshll.u32 s1, $0xD;
	s1 =	sshrl.u32 s1, $0x2  }
0xbb: {  	s3 =	sand.u32 $0x4000, s31;
	s1 =	sadd.s32 s1, s30  }
0xbc: {  	s0 =	sor.u32 s3, s0;
	s1 =	sshll.u32 s1, $0x11  }
0xbd: {  	s0 =	sor.u32 s1, s0  }
0xbe: {  	s0 =	sadd.s32 $0x8F2B, s0  }
0xbf: {  	[sflag:s0] =	ssyncadd.remote.s32 $0x1  }
0xc0: {  	_ =	sfence.sel $0xFFFF  }
0xc1: {  	[dreg:$0x0] =	wrdreg $0xFFFFFFFF;
	(pc) =	sbr.abs _section_cstart, $3  }
0xc2: {  	[dreg:$0x1] =	wrdreg $0xFFFFFFFF  }
0xc3: {  	_ =	task.clear_ibuf [dreg:s7], $0x2FFFF;
	_ =	strace $0x9FFFFFFF  }
0xc4: {  	(tm) =	ssettm $0x7FFFFFFF  }
0xc5: {  	_ =	shalt  }
tec
execute0_lowered:
.L_overlay_start_1:
0x0: {  	(tag) =	ssettag $0x1  }
0x1: {  	s0 =	rddreg [dreg:$0x0]  }
0x2: {  	s1 =	rddreg [dreg:$0x1];
	s3 =	srdreg.scid  }
0x3: {  	s11 =	stileid.u32;
	s2 =	rddreg [dreg:$0x2]  }
0x4: {  	s4 =	simm.s32 $0x0;
	s18 =	simm.s32 $0x1400;
	s19 =	simm.s32 $0x1  }
0x5: {  	s20 =	simm.s32 $0x3;
	s30 =	simm.s32 $0x4C00;
	s28 =	simm.s32 $0x6  }
0x6: {  	s29 =	simm.s32 $0x7;
	s5 =	sand.u32 $0x1, s3;
	s3 =	rddreg [dreg:$0x3]  }
0x7: {  	s31 =	simm.s32 $0x8;
	s6 =	smul.u32 $0x7680, s11;
	[smem:$0x7FF] =	sst s4  }
0x8: {  	s22 =	sshll.u32 s11, $0x6;
	p0 =	seq.s32 s11, $0xF;
	s7 =	sshll.u32 s5, $0x4  }
0x9: {  	s8 =	smul.u32 $0x76800, s5;
	_ =	strace $0x80000047;
	s5 =	ssub.s32 $0x2, s5  }
0xa: {  	[dreg:$0x6] =	wrdreg s22;
	s7 =	sor.u32 s11, s7;
	s9 =	sshrl.u32 s5, $0x1  }
0xb: {  	s21 =	sshrl.u32 s6, $0x1;
	s7 =	smul.u32 $0x280, s7;
	s8 =	sadd.s32 s6, s8  }
0xc: {  	s5 =	ssub.s32 s5, s9;
	s6 =	sshrl.u32 s6, $0x4;
	s10 =	sadd.s32 s21, s2  }
0xd: {  	s8 =	sshrl.u32 s8, $0x4;
	s1 =	sadd.s32 s1, s6;
	s6 =	sadd.s32 s0, s6  }
0xe: {  	s26 =	smax.u32 s5, $0x1;
	s14 =	sshrl.u32 s10, $0x3;
	[dreg:$0x5] =	wrdreg s1  }
0xf: {  	s7 =	sadd.s32 s7, s0;
	s8 =	sadd.s32 s8, s0;
	[dreg:$0x8] =	wrdreg s6  }
0x10: {  	s1 =	sor.u32 $0x1C01, s22;
	s6 =	sadd.s32 $0x378C0, s3;
	[dreg:$0xd] =	wrdreg s26  }
0x11: {  	s0 =	sadd.s32 $0x6F18, s0;
	s22 =	simm.s32 $0x2800;
	[dreg:$0x7] =	wrdreg s1  }
0x12: {  	s26 =	simm.s32 $0x2;
	[dreg:$0x9] =	wrdreg s0;
	s23 =	sadd.s32 $0xC600, s7  }
0x13: {  	s1 =	sadd.s32 s21, s3;
	s24 =	sadd.s32 $0x7600, s7;
	[dreg:$0xa] =	wrdreg s23  }
0x14: {  	s25 =	sadd.s32 $0x11600, s8;
	s0 =	sshll.u32 @!p0 s11, $0x6;
	[dreg:$0xb] =	wrdreg s24  }
0x15: {  	s5 =	sshrl.u32 @p0 s6, $0x3;
	s21 =	simm.s32 $0x80;
	[dreg:$0xc] =	wrdreg s25  }
0x16: {  	[dreg:$0xe] =	wrdreg s5;
	s16 =	sor.u32 @!p0 $0x1C02, s0;
	s17 =	sshrl.u32 @!p0 s1, $0x3  }
0x17: {  	s23 =	simm.s32 $0x3400;
	s25 =	simm.s32 $0x4000;
	s1 =	simm.s32 $0x4  }
0x18: {  	s24 =	simm.s32 $0x5;
	s0 =	simm.s32 $0x9;
	s5 =	simm.s32 $0x0  }
.LBB2_1:
0x19: {  	s6 =	rddreg [dreg:$0x5]  }
0x1a: {  	s7 =	rddreg [dreg:$0x7]  }
0x1b: {  	[spmem:s14], [sflag:s7] =	dma.local [hbm:s6], $0x768  }
0x1c: {  	s7 =	rddreg [dreg:$0x9]  }
0x1d: {  	s6 =	simm.s32 @p0 $0x1FC2;
	s8 =	rddreg [dreg:$0xe]  }
0x1e: {  	[spmem:s8], [sflag:s6] =	dma.local @p0 [hbm:s7], $0x618  }
0x1f: {  	s6 =	rddreg [dreg:$0x8]  }
0x20: {  	[spmem:s17], [sflag:s16] =	dma.local @!p0 [hbm:s6], $0x768  }
0x21: {  	s6 =	rddreg [dreg:$0xa]  }
0x22: {  	[tilespmem:s4], [sflag:$0x3] =	stream.linear.gather [hbm4b:s6+s4], $0x1400, $0x38;
	[tilespmem:$0xCE80] =	vst v63  }
0x23: {  	s15 =	rddreg [dreg:$0xb]  }
0x24: {  	[tilespmem:s18], [sflag:$0x4] =	stream.linear.gather [hbm4b:s15+s4], $0x1400, $0x38;
	[tilespmem:$0xCE80] =	vst v63  }
0x25: {  	_ =	swait.ge [sflag:s19], $0x768  }
0x26: {  	[sflag:s19] =	ssyncset.done $0x0  }
0x27: {  	s6 =	simm.s32 @p0 $0x2;
	[sflag:s19] =	ssyncadd.s32 $0xFFFFF898  }
0x28: {  	_ =	swait.ge @p0 [sflag:s6], $0x618  }
0x29: {  	[sflag:s6] =	ssyncset.done @p0 $0x0  }
0x2a: {  	[sflag:s6] =	ssyncadd.s32 @p0 $0xFFFFF9E8;
	s6 =	simm.s32 @!p0 $0x2  }
0x2b: {  	_ =	swait.ge @!p0 [sflag:s6], $0x768  }
0x2c: {  	[sflag:s6] =	ssyncset.done @!p0 $0x0  }
0x2d: {  	[sflag:s6] =	ssyncadd.s32 @!p0 $0xFFFFF898  }
0x2e: {  	_ =	swait.ge [sflag:s20], $0x1400  }
0x2f: {  	[sflag:s20] =	ssyncset.done $0x0  }
0x30: {  	[sflag:s20] =	ssyncadd.s32 $0xFFFFEC00  }
0x31: {  	_ =	swait.ge [sflag:s1], $0x1400  }
0x32: {  	[sflag:s1] =	ssyncset.done $0x0  }
0x33: {  	[sflag:s1] =	ssyncadd.s32 $0xFFFFEC00  }
0x34: {  	[bflag:$0x0] =	sbarrier.arrive $0xFFFF  }
0x35: {  	[tilespmem:s22], [sflag:$0x1] =	stream.indirect.gather [spmem:s3], $0x18, s4, s21, $0xb8;
	[tilespmem:$0xCE80] =	vst v63  }
0x36: {  	_ = 	snop  }
0x37: {  	[tilespmem:s23], [sflag:$0x2] =	stream.indirect.gather [spmem:s3], $0x18, s21, s21, $0xb8;
	[tilespmem:$0xCE80] =	vst v63  }
0x38: {  	_ =	swait.ge [sflag:s19], $0xC00  }
0x39: {  	[sflag:s19] =	ssyncset.done $0x0  }
0x3a: {  	[sflag:s19] =	ssyncadd.s32 $0xFFFFF400  }
0x3b: {  	[spmem:s2] =	stream.indirect.scatter.add.bf16 [tilespmem:s22], [sflag:$0x5], $0x18, s18, s21, $0xb8;
	[tilespmem:$0xCE80] =	vst v63  }
0x3c: {  	s7 =	simm.s32 $0x100  }
0x3d: {  	[tilespmem:s25], [sflag:$0x3] =	stream.indirect.gather [spmem:s3], $0x18, s7, s21, $0xb8;
	[tilespmem:$0xCE80] =	vst v63  }
0x3e: {  	_ =	swait.ge [sflag:s26], $0xC00  }
0x3f: {  	[sflag:s26] =	ssyncset.done $0x0  }
0x40: {  	s8 =	simm.s32 $0x1480;
	[sflag:s26] =	ssyncadd.s32 $0xFFFFF400  }
0x41: {  	[spmem:s2] =	stream.indirect.scatter.add.bf16 [tilespmem:s23], [sflag:$0x6], $0x18, s8, s21, $0xb8;
	[tilespmem:$0xCE80] =	vst v63  }
0x42: {  	s9 =	simm.s32 $0x180  }
0x43: {  	[tilespmem:s30], [sflag:$0x4] =	stream.indirect.gather [spmem:s3], $0x18, s9, s21, $0xb8;
	[tilespmem:$0xCE80] =	vst v63  }
0x44: {  	s11 =	sand.u32 $0x3, s1;
	_ =	swait.ge [sflag:s20], $0xC00  }
0x45: {  	s10 =	simm.s32 $0x1500;
	s12 =	smul.u32 $0x3000, s11;
	[sflag:s20] =	ssyncset.done $0x0  }
0x46: {  	s6 =	sadd.s32 $0x1, s11;
	s7 =	simm.s32 $0x200;
	[sflag:s20] =	ssyncadd.s32 $0xFFFFF400  }
0x47: {  	[spmem:s2] =	stream.indirect.scatter.add.bf16 [tilespmem:s25], [sflag:$0x7], $0x18, s10, s21, $0xb8;
	[tilespmem:$0xCE80] =	vst v63  }
0x48: {  	s8 =	sshrl.u32 s12, $0x2;
	s9 =	sadd.s32 $0x5, s11;
	s10 =	simm.s32 $0x3  }
0x49: {  	s8 =	sadd.s32 $0x2800, s8;
	_ =	swait.ge [sflag:s9], $0xC00;
	s12 =	sand.u32 $0x3, s10  }
0x4a: {  	[sflag:s9] =	ssyncset.done $0x0;
	s13 =	smul.u32 $0x3000, s12;
	s10 =	sadd.s32 $0x1, s12  }
0x4b: {  	s12 =	sadd.s32 $0x5, s12;
	[sflag:s9] =	ssyncadd.s32 $0xFFFFF400;
	s9 =	simm.s32 $0x5  }
0x4c: {  	[tilespmem:s8], [sflag:s6] =	stream.indirect.gather [spmem:s3], $0x18, s7, s21, $0xb8;
	[tilespmem:$0xCE80] =	vst v63  }
0x4d: {  	s8 =	simm.s32 $0x1580;
	s15 =	sshrl.u32 s13, $0x2;
	_ =	swait.ge [sflag:s10], $0xC00  }
0x4e: {  	s6 =	simm.s32 $0x1580;
	s11 =	sadd.s32 $0x2800, s15;
	[sflag:s10] =	ssyncset.done $0x0  }
.LBB2_2:
0x4f: {  	[sflag:s10] =	ssyncadd.s32 $0xFFFFF400  }
0x50: {  	s8 =	sadd.s32 $0x80, s8;
	s7 =	sadd.s32 $0x80, s7;
	s10 =	smov.u32 s9  }
0x51: {  	[spmem:s2] =	stream.indirect.scatter.add.bf16 [tilespmem:s11], [sflag:s12], $0x18, s6, s21, $0xb8;
	[tilespmem:$0xCE80] =	vst v63  }
0x52: {  	p1 =	sne.s32 s9, $0x27;
	s9 =	sadd.s32 $0x1, s9;
	s11 =	sand.u32 $0x3, s10  }
0x53: {  	s6 =	smov.u32 s8;
	s12 =	smul.u32 $0x3000, s11;
	s13 =	sadd.s32 $0x5, s11  }
0x54: {  	s10 =	sadd.s32 $0xFFFFFFFF, s10;
	_ =	swait.ge [sflag:s13], $0xC00  }
0x55: {  	s15 =	sand.u32 $0x3, s10;
	s12 =	sshrl.u32 s12, $0x2;
	[sflag:s13] =	ssyncset.done $0x0  }
.Ltmp0:
0x56: {  	s12 =	sadd.s32 $0x2800, s12;
	[sflag:s13] =	ssyncadd.s32 $0xFFFFF400;
	(pc) =	sbr.rel @p1 .LBB2_2-.Ltmp0, $4  }
0x57: {  	s11 =	sadd.s32 $0x1, s11;
	s10 =	sadd.s32 $0x1, s15;
	s13 =	smul.u32 $0x3000, s15  }
0x58: {  	[tilespmem:s12], [sflag:s11] =	stream.indirect.gather [spmem:s3], $0x18, s7, s21, $0xb8;
	[tilespmem:$0xCE80] =	vst v63  }
0x59: {  	s11 =	sshrl.u32 s13, $0x2;
	_ =	swait.ge [sflag:s10], $0xC00  }
0x5a: {  	s12 =	sadd.s32 $0x5, s15;
	s11 =	sadd.s32 $0x2800, s11;
	[sflag:s10] =	ssyncset.done $0x0  }
0x5b: {  	[sflag:s10] =	ssyncadd.s32 $0xFFFFF400  }
0x5c: {  	[spmem:s2] =	stream.indirect.scatter.add.bf16 [tilespmem:s11], [sflag:s12], $0x18, s6, s21, $0xb8;
	[tilespmem:$0xCE80] =	vst v63  }
0x5d: {  	_ =	swait.ge [sflag:s1], $0xC00  }
0x5e: {  	[sflag:s1] =	ssyncset.done $0x0  }
0x5f: {  	s12 =	simm.s32 $0x2780;
	[sflag:s1] =	ssyncadd.s32 $0xFFFFF400  }
0x60: {  	[spmem:s2] =	stream.indirect.scatter.add.bf16 [tilespmem:s30], [sflag:$0x8], $0x18, s12, s21, $0xb8;
	[tilespmem:$0xCE80] =	vst v63  }
0x61: {  	_ =	swait.ge [sflag:s24], $0xC00  }
0x62: {  	[sflag:s24] =	ssyncset.done $0x0  }
0x63: {  	[sflag:s24] =	ssyncadd.s32 $0xFFFFF400  }
0x64: {  	_ =	swait.ge [sflag:s28], $0xC00  }
0x65: {  	[sflag:s28] =	ssyncset.done $0x0  }
0x66: {  	[sflag:s28] =	ssyncadd.s32 $0xFFFFF400  }
0x67: {  	_ =	swait.ge [sflag:s29], $0xC00  }
0x68: {  	[sflag:s29] =	ssyncset.done $0x0  }
0x69: {  	[sflag:s29] =	ssyncadd.s32 $0xFFFFF400  }
0x6a: {  	_ =	swait.ge [sflag:s31], $0xC00  }
0x6b: {  	[sflag:s31] =	ssyncset.done $0x0  }
0x6c: {  	[sflag:s31] =	ssyncadd.s32 $0xFFFFF400  }
0x6d: {  	[bflag:$0x0] =	sbarrier.arrive $0xFFFF  }
0x6e: {  	s13 =	rddreg [dreg:$0x6]  }
0x6f: {  	s7 =	rddreg [dreg:$0xc];
	s6 =	sor.u32 $0x1C09, s13  }
0x70: {  	[hbm:s7], [sflag:s6] =	dma.local [spmem:s14], $0x768  }
0x71: {  	_ =	swait.ge [sflag:s0], $0x768  }
0x72: {  	s5 =	sadd.s32 $0x1, s5;
	s15 =	rddreg [dreg:$0xd]  }
0x73: {  	p1 =	sne.s32 s5, s15  }
.Ltmp1:
0x74: {  	_ = 	snop;
	(pc) =	sbr.rel @p1 .LBB2_1-.Ltmp1, $3  }
0x75: {  	_ =	sdelay $0x1  }
0x76: {  	[sflag:s0] =	ssyncset.done $0x0  }
0x77: {  	[sflag:s0] =	ssyncadd.s32 $0xFFFFF898  }
0x78: {  	_ =	sfence.sel $0x180000  }
0x79: {  	[bflag:$0x0] =	sbarrier.arrive $0xFFFF  }
0x7a: {  	_ =	strace $0x90000047  }
0x7b: {  	s0 =	stileid.u32;
	[bflag:$0x2] =	sbarrier.arrive $0xFFFF  }
0x7c: {  	p0 =	sne.s32 s0, $0x0;
	s0 =	rddreg [dreg:$0x4]  }
0x7d: {  	s0 =	sadd.s32 @!p0 $0x100000, s0  }
0x7e: {  	[sflag:s0] =	ssyncadd.tile.s32 @!p0 $0x1;
	_ =	shalt  }
.Lfunc_end2:
_tile_overlayer_lowered:
.L_overlay_start_2:
0x7f: {  	(tag) =	ssettag $0x2  }
0x80: {  	s0 =	rddreg [dreg:$0x0];
	s2 =	stileid.u32  }
0x81: {  	s1 =	rddreg [dreg:$0x1];
	p0 =	sne.s32 s2, $0x0  }
0x82: {  	s3 =	rddreg [dreg:$0x2];
	[bflag:$0x3] =	sbarrier.arrive $0xFFFF;
	s2 =	simm.s32 @!p0 $0x1C09  }
0x83: {  	[timem:s3], [sflag:s2] =	dma.local @!p0 [hbm:s0], s1  }
0x84: {  	s0 =	simm.s32 @!p0 $0x9  }
0x85: {  	_ =	swait.ge @!p0 [sflag:s0], s1  }
0x86: {  	s1 =	ssub.s32 @!p0 $0x0, s1;
	[sflag:s0] =	ssyncset.done @!p0 $0x0  }
0x87: {  	[sflag:s0] =	ssyncadd.s32 @!p0 s1  }
0x88: {  	[bflag:$0x3] =	sbarrier.arrive $0xFFFF  }
0x89: {  	_ =	shalt  }

</sc_bundles>
